<compile_context>
chip_gen: v7x
topology: tpu7x:2x2x1
jax: 0.10.2.dev20260603
libtpu: 0.0.44.dev20260713+nightly
codegen_flags: <defaults>
</compile_context>

<pallas_src>
import functools

import jax
import jax.numpy as jnp
from jax import lax
from jax.experimental import pallas as pl
from jax.experimental.pallas import tpu as pltpu
from jax.experimental.pallas import tpu_sc as plsc

NUM_CODES = 8192
CODE_DIM = 32
B_TOTAL = 65536
COMMITMENT_COST = 0.25

AUG = 40
BLK_B = 512
NB = B_TOTAL // BLK_B

NC = 2
NS = 16
NW = NC * NS
BPW = B_TOTAL // NW
CHUNK = 128
NCHUNK = BPW // CHUNK


def _prep_body(cbt_ref, w_ref):
    cbt = cbt_ref[...]
    c2h = 0.5 * jnp.sum(cbt * cbt, axis=0, keepdims=True)
    c2a = c2h.astype(jnp.bfloat16).astype(jnp.float32)
    r1 = c2h - c2a
    c2b = r1.astype(jnp.bfloat16).astype(jnp.float32)
    c2c = r1 - c2b
    pad = jnp.zeros((AUG - CODE_DIM - 3, NUM_CODES), jnp.float32)
    w_ref[...] = jnp.concatenate([-cbt, c2a, c2b, c2c, pad], axis=0)


KC = 256
NKC = NUM_CODES // KC


def _assign_body(z_ref, w_ref, ks_ref, codes_ref):
    z_aug = z_ref[...]
    w = w_ref[...]
    ks = ks_ref[0:1, :]
    bm = None
    for c in range(NKC):
        score = jnp.dot(z_aug, w[:, c * KC:(c + 1) * KC],
                        preferred_element_type=jnp.float32)
        u = lax.bitcast_convert_type(score, jnp.int32)
        p = lax.bitcast_convert_type((u & jnp.int32(-KC)) | ks, jnp.float32)
        m = jnp.min(p, axis=1)
        kg = (lax.bitcast_convert_type(m, jnp.int32) & jnp.int32(KC - 1)) \
            + jnp.int32(c * KC)
        if bm is None:
            bm, bk = m, kg
        else:
            better = m < bm
            bm = jnp.where(better, m, bm)
            bk = jnp.where(better, kg, bk)
    codes_ref[...] = bk.reshape(1, 1, BLK_B)


def _assign_codes(z_aug, cbt):
    w_aug = pl.pallas_call(
        _prep_body,
        out_shape=jax.ShapeDtypeStruct((AUG, NUM_CODES), jnp.float32),
    )(cbt)
    ks = jax.lax.broadcasted_iota(jnp.int32, (8, KC), 1)
    codes3 = pl.pallas_call(
        _assign_body,
        grid=(NB,),
        in_specs=[
            pl.BlockSpec((BLK_B, AUG), lambda i: (i, 0)),
            pl.BlockSpec((AUG, NUM_CODES), lambda i: (0, 0)),
            pl.BlockSpec((8, KC), lambda i: (0, 0)),
        ],
        out_specs=pl.BlockSpec((1, 1, BLK_B), lambda i: (i, 0, 0)),
        out_shape=jax.ShapeDtypeStruct((NB, 1, BLK_B), jnp.int32),
        compiler_params=pltpu.CompilerParams(
            dimension_semantics=("arbitrary",)),
    )(z_aug, w_aug, ks)
    return codes3.reshape(B_TOTAL)


def _sc_finish_body(cb_hbm, codes_hbm, z_hbm, zqst_hbm, loss_hbm,
                    idx_v, rows_v, z_v, acc_v, sem):
    wid = lax.axis_index("s") * NC + lax.axis_index("c")
    base = wid * BPW
    pltpu.sync_copy(codes_hbm.at[pl.ds(wid * NCHUNK, NCHUNK), :], idx_v)

    def chunk(j, acc):
        off = base + j * CHUNK
        pltpu.async_copy(cb_hbm.at[idx_v.at[j]], rows_v, sem).wait()
        pltpu.sync_copy(z_hbm.at[pl.ds(off, CHUNK), :], z_v)

        def row(i, a):
            for h in range(CODE_DIM // 16):
                zz = z_v[i, pl.ds(h * 16, 16)]
                rr = rows_v[i, pl.ds(h * 16, 16)]
                dd = rr - zz
                z_v[i, pl.ds(h * 16, 16)] = zz + dd
                a = a + dd * dd
            return a

        acc = lax.fori_loop(0, CHUNK, row, acc)
        pltpu.sync_copy(z_v, zqst_hbm.at[pl.ds(off, CHUNK), :])
        return acc

    acc = lax.fori_loop(0, NCHUNK, chunk, jnp.zeros((16,), jnp.float32))
    acc_v[...] = acc
    pltpu.sync_copy(acc_v, loss_hbm.at[wid])


@functools.cache
def _sc_finish():
    return pl.kernel(
        _sc_finish_body,
        mesh=plsc.VectorSubcoreMesh(core_axis_name="c", subcore_axis_name="s"),
        out_type=[
            jax.ShapeDtypeStruct((B_TOTAL, CODE_DIM), jnp.float32),
            jax.ShapeDtypeStruct((NW, 16), jnp.float32),
        ],
        scratch_types=[
            pltpu.VMEM((NCHUNK, CHUNK), jnp.int32),
            pltpu.VMEM((CHUNK, CODE_DIM), jnp.float32),
            pltpu.VMEM((CHUNK, CODE_DIM), jnp.float32),
            pltpu.VMEM((16,), jnp.float32),
            pltpu.SemaphoreType.DMA,
        ],
        compiler_params=pltpu.CompilerParams(use_tc_tiling_on_sc=False),
    )


def kernel(z, codebook):
    cbt = codebook.T
    ones = jnp.ones((B_TOTAL, 3), jnp.float32)
    zpad = jnp.zeros((B_TOTAL, AUG - CODE_DIM - 3), jnp.float32)
    z_aug = jnp.concatenate([z, ones, zpad], axis=1)
    codes = _assign_codes(z_aug, cbt)
    zqst, loss_parts = _sc_finish()(codebook, codes.reshape(-1, CHUNK), z)
    s = jnp.sum(loss_parts)
    n = jnp.float32(B_TOTAL * CODE_DIM)
    commitment_loss = s / n
    codebook_loss = s / n
    vq_loss = codebook_loss + COMMITMENT_COST * commitment_loss
    return (zqst, codes, commitment_loss, codebook_loss, vq_loss)

# --- scband reference (transcript-rebuilt; emitter-appended) ---
"""Pipeline reference for scband-vector-quantizer-47828755808923 (READ-ONLY COPY).

The authoritative reference and input builder live on the scoring server;
editing this copy changes nothing except your own understanding.
"""

import jax, jax.numpy as jnp
import numpy as np

NUM_CODES = 8192
CODE_DIM = 32
COMMITMENT_COST = 0.25


def setup_inputs(seed: int = 0) -> dict:
    key = jax.random.key(seed)
    k1, k2 = jax.random.split(key)
    z = jax.random.normal(k1, (65536, CODE_DIM), dtype=jnp.float32)
    codebook = jax.random.normal(k2, (NUM_CODES, CODE_DIM), dtype=jnp.float32)
    return {"z": z, "codebook": codebook}


def reference(z, codebook):
    # torch.cdist: pairwise euclidean distances [B, K]
    z2 = jnp.sum(z * z, axis=-1, keepdims=True)            # [B, 1]
    c2 = jnp.sum(codebook * codebook, axis=-1)[None, :]     # [1, K]
    sq = jnp.maximum(z2 + c2 - 2.0 * (z @ codebook.T), 0.0)
    dists = jnp.sqrt(sq)
    codes = jnp.argmin(dists, axis=-1)                      # [B]
    z_q = jnp.take(codebook, codes, axis=0)                 # gather [B, D]
    commitment_loss = jnp.mean((z - jax.lax.stop_gradient(z_q)) ** 2)
    codebook_loss = jnp.mean((jax.lax.stop_gradient(z) - z_q) ** 2)
    # straight-through estimator
    z_q_st = z + jax.lax.stop_gradient(z_q - z)
    vq_loss = codebook_loss + COMMITMENT_COST * commitment_loss
    return (z_q_st, codes, commitment_loss, codebook_loss, vq_loss)

if __name__ == "__main__":
    import jax
    _d = setup_inputs()
    print(jax.jit(kernel)(*tuple(_d.values())))

</pallas_src>

<mosaic_0001>
#map = affine_map<(d0, d1) -> (0, 0)>
module attributes {stable_mosaic.version = 14 : i64} {
  func.func @_sc_finish_body(%arg0: i32, %arg1: i32, %arg2: memref<8192x32xf32, #tpu.memory_space<hbm>>, %arg3: memref<512x128xi32, #tpu.memory_space<hbm>>, %arg4: memref<65536x32xf32, #tpu.memory_space<hbm>>, %arg5: memref<65536x32xf32, #tpu.memory_space<hbm>>, %arg6: memref<32x16xf32, #tpu.memory_space<hbm>>, %arg7: memref<16x128xi32, #tpu.memory_space<vmem>>, %arg8: memref<128x32xf32, #tpu.memory_space<vmem>>, %arg9: memref<128x32xf32, #tpu.memory_space<vmem>>, %arg10: memref<16xf32, #tpu.memory_space<vmem>>, %arg11: memref<!tpu.dma_semaphore, #tpu.memory_space<semaphore_mem>>) attributes {dimension_semantics = [#tpu.dimension_semantics<core_parallel>, #tpu.dimension_semantics<subcore_parallel>], iteration_bounds = array<i64: 2, 16>, scalar_prefetch = 0 : i64, scratch_operands = 5 : i64, tpu.core_type = #tpu.core_type<sc_vector_subcore>, window_params = [{transform_indices = #map}, {transform_indices = #map}, {transform_indices = #map}, {transform_indices = #map}, {transform_indices = #map}]} {
    %mul3A = arith.constant 2 : i32
    %mul3A_0 = arith.muli %arg1, %mul3A : i32
    %add3A = arith.addi %mul3A_0, %arg0 : i32
    %mul3A_1 = arith.constant 2048 : i32
    %mul3A_2 = arith.muli %add3A, %mul3A_1 : i32
    %mul3A_3 = arith.constant 16 : i32
    %mul3A_4 = arith.muli %add3A, %mul3A_3 : i32
    "tpu.region"() ({
      %run_scoped3A = tpu.sem_alloc : memref<!tpu.dma_semaphore, #tpu.memory_space<semaphore_mem>>
      %dma_start3A = arith.constant 0 : i32
      %dma_start3A_14 = tpu.memref_slice %arg3[%mul3A_4, %dma_start3A] : memref<512x128xi32, #tpu.memory_space<hbm>> -> memref<16x128xi32, #tpu.memory_space<hbm>>
      %dma_start3A_15 = arith.constant 0 : i32
      %dma_start3A_16 = tpu.memref_slice %arg3[%mul3A_4, %dma_start3A_15] : memref<512x128xi32, #tpu.memory_space<hbm>> -> memref<16x128xi32, #tpu.memory_space<hbm>>
      tpu.enqueue_dma source(%dma_start3A_16 : memref<16x128xi32, #tpu.memory_space<hbm>>) target(%arg7 : memref<16x128xi32, #tpu.memory_space<vmem>>) target_semaphore(%run_scoped3A : memref<!tpu.dma_semaphore, #tpu.memory_space<semaphore_mem>>)
      %dma_wait3A = arith.constant 0 : i32
      %dma_wait3A_17 = tpu.memref_slice %arg3[%mul3A_4, %dma_wait3A] : memref<512x128xi32, #tpu.memory_space<hbm>> -> memref<16x128xi32, #tpu.memory_space<hbm>>
      %dma_wait3A_18 = arith.constant 0 : i32
      %dma_wait3A_19 = tpu.memref_slice %arg3[%mul3A_4, %dma_wait3A_18] : memref<512x128xi32, #tpu.memory_space<hbm>> -> memref<16x128xi32, #tpu.memory_space<hbm>>
      tpu.wait_dma2 semaphore(%run_scoped3A : memref<!tpu.dma_semaphore, #tpu.memory_space<semaphore_mem>>) src(%dma_wait3A_19 : memref<16x128xi32, #tpu.memory_space<hbm>>) dst(%arg7 : memref<16x128xi32, #tpu.memory_space<vmem>>)
      tpu.yield
    }) : () -> ()
    %broadcast_in_dim3A = arith.constant 0.000000e+00 : f32
    %broadcast_in_dim3A_5 = vector.broadcast %broadcast_in_dim3A : f32 to vector<16xf32>
    %scan3A = arith.constant 0 : i32
    %scan3A_6 = arith.constant 16 : i32
    %scan3A_7 = arith.addi %scan3A, %scan3A_6 : i32
    %scan3A_8 = arith.constant 1 : i32
    %scan3A_9 = scf.for %scan3A_14 = %scan3A to %scan3A_7 step %scan3A_8 iter_args(%scan3A_15 = %broadcast_in_dim3A_5) -> (vector<16xf32>)  : i32 {
      %mul3A_16 = arith.constant 128 : i32
      %mul3A_17 = arith.muli %scan3A_14, %mul3A_16 : i32
      %add3A_18 = arith.addi %mul3A_2, %mul3A_17 : i32
      %dma_start3A = arith.constant 0 : i32
      %dma_start3A_19 = tpu.memref_slice %arg7[%scan3A_14, %dma_start3A] : memref<16x128xi32, #tpu.memory_space<vmem>> -> memref<1x128xi32, #tpu.memory_space<vmem>>
      %dma_start3A_20 = tpu.memref_squeeze %dma_start3A_19 : memref<1x128xi32, #tpu.memory_space<vmem>> -> memref<128xi32, #tpu.memory_space<vmem>>
      %dma_start3A_21 = arith.constant 0 : i32
      %dma_start3A_22 = arith.constant 0 : i32
      %dma_start3A_23 = tpu.memref_slice %arg2[%dma_start3A_21, %dma_start3A_22] : memref<8192x32xf32, #tpu.memory_space<hbm>> -> memref<8192x32xf32, #tpu.memory_space<hbm>>
      tpu.enqueue_indirect_dma source(%dma_start3A_23 : memref<8192x32xf32, #tpu.memory_space<hbm>>) target(%arg8 : memref<128x32xf32, #tpu.memory_space<vmem>>) offsets(%dma_start3A_20 : memref<128xi32, #tpu.memory_space<vmem>>) semaphore(%arg11 : memref<!tpu.dma_semaphore, #tpu.memory_space<semaphore_mem>>)
      %dma_wait3A = arith.constant 0 : i32
      %dma_wait3A_24 = tpu.memref_slice %arg7[%scan3A_14, %dma_wait3A] : memref<16x128xi32, #tpu.memory_space<vmem>> -> memref<1x128xi32, #tpu.memory_space<vmem>>
      %dma_wait3A_25 = tpu.memref_squeeze %dma_wait3A_24 : memref<1x128xi32, #tpu.memory_space<vmem>> -> memref<128xi32, #tpu.memory_space<vmem>>
      %dma_wait3A_26 = arith.constant 0 : i32
      %dma_wait3A_27 = arith.constant 0 : i32
      %dma_wait3A_28 = tpu.memref_slice %arg2[%dma_wait3A_26, %dma_wait3A_27] : memref<8192x32xf32, #tpu.memory_space<hbm>> -> memref<8192x32xf32, #tpu.memory_space<hbm>>
      tpu.wait_indirect_dma semaphore(%arg11 : memref<!tpu.dma_semaphore, #tpu.memory_space<semaphore_mem>>) src(%dma_wait3A_28 : memref<8192x32xf32, #tpu.memory_space<hbm>>) dst(%arg8 : memref<128x32xf32, #tpu.memory_space<vmem>>)
      "tpu.region"() ({
        %run_scoped3A = tpu.sem_alloc : memref<!tpu.dma_semaphore, #tpu.memory_space<semaphore_mem>>
        %dma_start3A_35 = arith.constant 0 : i32
        %dma_start3A_36 = tpu.memref_slice %arg4[%add3A_18, %dma_start3A_35] : memref<65536x32xf32, #tpu.memory_space<hbm>> -> memref<128x32xf32, #tpu.memory_space<hbm>>
        %dma_start3A_37 = arith.constant 0 : i32
        %dma_start3A_38 = tpu.memref_slice %arg4[%add3A_18, %dma_start3A_37] : memref<65536x32xf32, #tpu.memory_space<hbm>> -> memref<128x32xf32, #tpu.memory_space<hbm>>
        tpu.enqueue_dma source(%dma_start3A_38 : memref<128x32xf32, #tpu.memory_space<hbm>>) target(%arg9 : memref<128x32xf32, #tpu.memory_space<vmem>>) target_semaphore(%run_scoped3A : memref<!tpu.dma_semaphore, #tpu.memory_space<semaphore_mem>>)
        %dma_wait3A_39 = arith.constant 0 : i32
        %dma_wait3A_40 = tpu.memref_slice %arg4[%add3A_18, %dma_wait3A_39] : memref<65536x32xf32, #tpu.memory_space<hbm>> -> memref<128x32xf32, #tpu.memory_space<hbm>>
        %dma_wait3A_41 = arith.constant 0 : i32
        %dma_wait3A_42 = tpu.memref_slice %arg4[%add3A_18, %dma_wait3A_41] : memref<65536x32xf32, #tpu.memory_space<hbm>> -> memref<128x32xf32, #tpu.memory_space<hbm>>
        tpu.wait_dma2 semaphore(%run_scoped3A : memref<!tpu.dma_semaphore, #tpu.memory_space<semaphore_mem>>) src(%dma_wait3A_42 : memref<128x32xf32, #tpu.memory_space<hbm>>) dst(%arg9 : memref<128x32xf32, #tpu.memory_space<vmem>>)
        tpu.yield
      }) : () -> ()
      %scan3A_29 = arith.constant 0 : i32
      %scan3A_30 = arith.constant 128 : i32
      %scan3A_31 = arith.addi %scan3A_29, %scan3A_30 : i32
      %scan3A_32 = arith.constant 1 : i32
      %scan3A_33 = scf.for %scan3A_35 = %scan3A_29 to %scan3A_31 step %scan3A_32 iter_args(%scan3A_36 = %scan3A_15) -> (vector<16xf32>)  : i32 {
        %get3A = arith.index_cast %scan3A_35 : i32 to index
        %get3A_37 = arith.constant 0 : index
        %get3A_38 = tpu.vector_load %arg9[%get3A, %get3A_37] {strides = array<i32>} : memref<128x32xf32, #tpu.memory_space<vmem>>, vector<1x16xf32>,
        %get3A_39 = vector.shape_cast %get3A_38 : vector<1x16xf32> to vector<16xf32>
        %get3A_40 = arith.index_cast %scan3A_35 : i32 to index
        %get3A_41 = arith.constant 0 : index
        %get3A_42 = tpu.vector_load %arg8[%get3A_40, %get3A_41] {strides = array<i32>} : memref<128x32xf32, #tpu.memory_space<vmem>>, vector<1x16xf32>,
        %get3A_43 = vector.shape_cast %get3A_42 : vector<1x16xf32> to vector<16xf32>
        %sub3A = arith.subf %get3A_43, %get3A_39 : vector<16xf32>
        %add3A_44 = arith.addf %get3A_39, %sub3A : vector<16xf32>
        %swap3A_45 = arith.index_cast %scan3A_35 : i32 to index
        %swap3A_46 = arith.constant 0 : index
        %swap3A_47 = tpu.vector_load %arg9[%swap3A_45, %swap3A_46] {strides = array<i32>} : memref<128x32xf32, #tpu.memory_space<vmem>>, vector<1x16xf32>,
        %swap3A_48 = vector.shape_cast %swap3A_47 : vector<1x16xf32> to vector<16xf32>
        %swap3A_49 = vector.shape_cast %add3A_44 : vector<16xf32> to vector<1x16xf32>
        tpu.vector_store %arg9[%swap3A_45, %swap3A_46], %swap3A_49 {strides = array<i32>} : memref<128x32xf32, #tpu.memory_space<vmem>>, vector<1x16xf32>,
        %mul3A_50 = arith.mulf %sub3A, %sub3A : vector<16xf32>
        %add3A_51 = arith.addf %scan3A_36, %mul3A_50 : vector<16xf32>
        %get3A_52 = arith.index_cast %scan3A_35 : i32 to index
        %get3A_53 = arith.constant 16 : index
        %get3A_54 = tpu.vector_load %arg9[%get3A_52, %get3A_53] {strides = array<i32>} : memref<128x32xf32, #tpu.memory_space<vmem>>, vector<1x16xf32>,
        %get3A_55 = vector.shape_cast %get3A_54 : vector<1x16xf32> to vector<16xf32>
        %get3A_56 = arith.index_cast %scan3A_35 : i32 to index
        %get3A_57 = arith.constant 16 : index
        %get3A_58 = tpu.vector_load %arg8[%get3A_56, %get3A_57] {strides = array<i32>} : memref<128x32xf32, #tpu.memory_space<vmem>>, vector<1x16xf32>,
        %get3A_59 = vector.shape_cast %get3A_58 : vector<1x16xf32> to vector<16xf32>
        %sub3A_60 = arith.subf %get3A_59, %get3A_55 : vector<16xf32>
        %add3A_61 = arith.addf %get3A_55, %sub3A_60 : vector<16xf32>
        %swap3A_62 = arith.index_cast %scan3A_35 : i32 to index
        %swap3A_63 = arith.constant 16 : index
        %swap3A_64 = tpu.vector_load %arg9[%swap3A_62, %swap3A_63] {strides = array<i32>} : memref<128x32xf32, #tpu.memory_space<vmem>>, vector<1x16xf32>,
        %swap3A_65 = vector.shape_cast %swap3A_64 : vector<1x16xf32> to vector<16xf32>
        %swap3A_66 = vector.shape_cast %add3A_61 : vector<16xf32> to vector<1x16xf32>
        tpu.vector_store %arg9[%swap3A_62, %swap3A_63], %swap3A_66 {strides = array<i32>} : memref<128x32xf32, #tpu.memory_space<vmem>>, vector<1x16xf32>,
        %mul3A_67 = arith.mulf %sub3A_60, %sub3A_60 : vector<16xf32>
        %add3A_68 = arith.addf %add3A_51, %mul3A_67 : vector<16xf32>
        scf.yield %add3A_68 : vector<16xf32>
      }
      %scan3A_34 = arith.constant 128 : i32
      "tpu.region"() ({
        %run_scoped3A = tpu.sem_alloc : memref<!tpu.dma_semaphore, #tpu.memory_space<semaphore_mem>>
        %dma_start3A_35 = arith.constant 0 : i32
        %dma_start3A_36 = tpu.memref_slice %arg5[%add3A_18, %dma_start3A_35] : memref<65536x32xf32, #tpu.memory_space<hbm>> -> memref<128x32xf32, #tpu.memory_space<hbm>>
        %dma_start3A_37 = arith.constant 0 : i32
        %dma_start3A_38 = tpu.memref_slice %arg5[%add3A_18, %dma_start3A_37] : memref<65536x32xf32, #tpu.memory_space<hbm>> -> memref<128x32xf32, #tpu.memory_space<hbm>>
        tpu.enqueue_dma source(%arg9 : memref<128x32xf32, #tpu.memory_space<vmem>>) target(%dma_start3A_38 : memref<128x32xf32, #tpu.memory_space<hbm>>) target_semaphore(%run_scoped3A : memref<!tpu.dma_semaphore, #tpu.memory_space<semaphore_mem>>)
        %dma_wait3A_39 = arith.constant 0 : i32
        %dma_wait3A_40 = tpu.memref_slice %arg5[%add3A_18, %dma_wait3A_39] : memref<65536x32xf32, #tpu.memory_space<hbm>> -> memref<128x32xf32, #tpu.memory_space<hbm>>
        %dma_wait3A_41 = arith.constant 0 : i32
        %dma_wait3A_42 = tpu.memref_slice %arg5[%add3A_18, %dma_wait3A_41] : memref<65536x32xf32, #tpu.memory_space<hbm>> -> memref<128x32xf32, #tpu.memory_space<hbm>>
        tpu.wait_dma2 semaphore(%run_scoped3A : memref<!tpu.dma_semaphore, #tpu.memory_space<semaphore_mem>>) src(%arg9 : memref<128x32xf32, #tpu.memory_space<vmem>>) dst(%dma_wait3A_42 : memref<128x32xf32, #tpu.memory_space<hbm>>)
        tpu.yield
      }) : () -> ()
      scf.yield %scan3A_33 : vector<16xf32>
    }
    %scan3A_10 = arith.constant 16 : i32
    %swap3A = arith.constant 0 : index
    %swap3A_11 = tpu.vector_load %arg10[%swap3A] {strides = array<i32>} : memref<16xf32, #tpu.memory_space<vmem>>, vector<16xf32>,
    %swap3A_12 = vector.shape_cast %swap3A_11 : vector<16xf32> to vector<16xf32>
    %swap3A_13 = vector.shape_cast %scan3A_9 : vector<16xf32> to vector<16xf32>
    tpu.vector_store %arg10[%swap3A], %swap3A_13 {strides = array<i32>} : memref<16xf32, #tpu.memory_space<vmem>>, vector<16xf32>,
    "tpu.region"() ({
      %run_scoped3A = tpu.sem_alloc : memref<!tpu.dma_semaphore, #tpu.memory_space<semaphore_mem>>
      %dma_start3A = arith.constant 0 : i32
      %dma_start3A_14 = tpu.memref_slice %arg6[%add3A, %dma_start3A] : memref<32x16xf32, #tpu.memory_space<hbm>> -> memref<1x16xf32, #tpu.memory_space<hbm>>
      %dma_start3A_15 = tpu.memref_squeeze %dma_start3A_14 : memref<1x16xf32, #tpu.memory_space<hbm>> -> memref<16xf32, #tpu.memory_space<hbm>>
      %dma_start3A_16 = arith.constant 0 : i32
      %dma_start3A_17 = tpu.memref_slice %arg6[%add3A, %dma_start3A_16] : memref<32x16xf32, #tpu.memory_space<hbm>> -> memref<1x16xf32, #tpu.memory_space<hbm>>
      %dma_start3A_18 = tpu.memref_squeeze %dma_start3A_17 : memref<1x16xf32, #tpu.memory_space<hbm>> -> memref<16xf32, #tpu.memory_space<hbm>>
      tpu.enqueue_dma source(%arg10 : memref<16xf32, #tpu.memory_space<vmem>>) target(%dma_start3A_18 : memref<16xf32, #tpu.memory_space<hbm>>) target_semaphore(%run_scoped3A : memref<!tpu.dma_semaphore, #tpu.memory_space<semaphore_mem>>)
      %dma_wait3A = arith.constant 0 : i32
      %dma_wait3A_19 = tpu.memref_slice %arg6[%add3A, %dma_wait3A] : memref<32x16xf32, #tpu.memory_space<hbm>> -> memref<1x16xf32, #tpu.memory_space<hbm>>
      %dma_wait3A_20 = tpu.memref_squeeze %dma_wait3A_19 : memref<1x16xf32, #tpu.memory_space<hbm>> -> memref<16xf32, #tpu.memory_space<hbm>>
      %dma_wait3A_21 = arith.constant 0 : i32
      %dma_wait3A_22 = tpu.memref_slice %arg6[%add3A, %dma_wait3A_21] : memref<32x16xf32, #tpu.memory_space<hbm>> -> memref<1x16xf32, #tpu.memory_space<hbm>>
      %dma_wait3A_23 = tpu.memref_squeeze %dma_wait3A_22 : memref<1x16xf32, #tpu.memory_space<hbm>> -> memref<16xf32, #tpu.memory_space<hbm>>
      tpu.wait_dma2 semaphore(%run_scoped3A : memref<!tpu.dma_semaphore, #tpu.memory_space<semaphore_mem>>) src(%arg10 : memref<16xf32, #tpu.memory_space<vmem>>) dst(%dma_wait3A_23 : memref<16xf32, #tpu.memory_space<hbm>>)
      tpu.yield
    }) : () -> ()
    return
  }
}

module attributes {stable_mosaic.version = 14 : i64} {
  func.func @_prep_body(%arg0: memref<32x8192xf32, #tpu.memory_space<vmem>>, %arg1: memref<40x8192xf32, #tpu.memory_space<vmem>>) attributes {dimension_semantics = [], scalar_prefetch = 0 : i64, scratch_operands = 0 : i64, tpu.core_type = #tpu.core_type<tc>} {
    %get3A = arith.constant 0 : index
    %get3A_0 = arith.constant 0 : index
    %get3A_1 = vector.load %arg0[%get3A, %get3A_0] : memref<32x8192xf32, #tpu.memory_space<vmem>>, vector<32x8192xf32>
    %mul3A = arith.mulf %get3A_1, %get3A_1 : vector<32x8192xf32>
    %reduce_sum3A = arith.constant dense<0.000000e+00> : vector<8192xf32>
    %reduce_sum3A_2 = vector.multi_reduction <add>, %mul3A, %reduce_sum3A [0] : vector<32x8192xf32> to vector<8192xf32>
    %broadcast_in_dim3A = vector.shape_cast %reduce_sum3A_2 : vector<8192xf32> to vector<1x8192xf32>
    %mul3A_3 = arith.constant 5.000000e-01 : f32
    %mul3A_4 = vector.broadcast %mul3A_3 : f32 to vector<1x8192xf32>
    %mul3A_5 = arith.mulf %mul3A_4, %broadcast_in_dim3A : vector<1x8192xf32>
    %convert_element_type3A = arith.truncf %mul3A_5 : vector<1x8192xf32> to vector<1x8192xbf16>
    %convert_element_type3A_6 = arith.extf %convert_element_type3A : vector<1x8192xbf16> to vector<1x8192xf32>
    %sub3A = arith.subf %mul3A_5, %convert_element_type3A_6 : vector<1x8192xf32>
    %convert_element_type3A_7 = arith.truncf %sub3A : vector<1x8192xf32> to vector<1x8192xbf16>
    %convert_element_type3A_8 = arith.extf %convert_element_type3A_7 : vector<1x8192xbf16> to vector<1x8192xf32>
    %sub3A_9 = arith.subf %sub3A, %convert_element_type3A_8 : vector<1x8192xf32>
    %broadcast_in_dim3A_10 = arith.constant 0.000000e+00 : f32
    %broadcast_in_dim3A_11 = vector.broadcast %broadcast_in_dim3A_10 : f32 to vector<5x8192xf32>
    %neg3A = arith.constant 0.000000e+00 : f32
    %neg3A_12 = vector.broadcast %neg3A : f32 to vector<32x8192xf32>
    %neg3A_13 = arith.subf %neg3A_12, %get3A_1 : vector<32x8192xf32>
    %concatenate3A = tpu.concatenate %neg3A_13, %convert_element_type3A_6, %convert_element_type3A_8, %sub3A_9, %broadcast_in_dim3A_11 in 0 : vector<32x8192xf32>, vector<1x8192xf32>, vector<1x8192xf32>, vector<1x8192xf32>, vector<5x8192xf32> -> vector<40x8192xf32>
    %swap3A = arith.constant 0 : index
    %swap3A_14 = arith.constant 0 : index
    %swap3A_15 = vector.load %arg1[%swap3A, %swap3A_14] : memref<40x8192xf32, #tpu.memory_space<vmem>>, vector<40x8192xf32>
    tpu.vector_store %arg1[%swap3A, %swap3A_14], %concatenate3A {strides = array<i32>} : memref<40x8192xf32, #tpu.memory_space<vmem>>, vector<40x8192xf32>,
    return
  }
}

module attributes {stable_mosaic.version = 14 : i64} {
  func.func @_assign_body(%arg0: i32, %arg1: memref<512x40xf32, #tpu.memory_space<vmem>>, %arg2: memref<40x8192xf32, #tpu.memory_space<vmem>>, %arg3: memref<8x256xi32, #tpu.memory_space<vmem>>, %arg4: memref<1x1x512xi32, #tpu.memory_space<vmem>>) attributes {dimension_semantics = [#tpu.dimension_semantics<arbitrary>], iteration_bounds = array<i64: 128>, scalar_prefetch = 0 : i64, scratch_operands = 0 : i64, tpu.core_type = #tpu.core_type<tc>, window_params = [{transform_indices = @transform_0, window_bounds = array<i64: 512, 40>}, {pipeline_mode = #tpu.pipeline_mode<synchronous>, transform_indices = @transform_1, window_bounds = array<i64: 40, 8192>}, {pipeline_mode = #tpu.pipeline_mode<synchronous>, transform_indices = @transform_2, window_bounds = array<i64: 8, 256>}, {transform_indices = @transform_3, window_bounds = array<i64: 1, 1, 512>}]} {
    %get3A = arith.constant 0 : index
    %get3A_0 = arith.constant 0 : index
    %get3A_1 = vector.load %arg1[%get3A, %get3A_0] : memref<512x40xf32, #tpu.memory_space<vmem>>, vector<512x40xf32>
    %get3A_2 = arith.constant 0 : index
    %get3A_3 = arith.constant 0 : index
    %get3A_4 = vector.load %arg2[%get3A_2, %get3A_3] : memref<40x8192xf32, #tpu.memory_space<vmem>>, vector<40x8192xf32>
    %get3A_5 = arith.constant 0 : index
    %get3A_6 = arith.constant 0 : index
    %get3A_7 = vector.load %arg3[%get3A_5, %get3A_6] : memref<8x256xi32, #tpu.memory_space<vmem>>, vector<1x256xi32>
    %slice3A = vector.extract_strided_slice %get3A_4 {offsets = [0, 0], sizes = [40, 256], strides = [1, 1]} : vector<40x8192xf32> to vector<40x256xf32>
    %dot_general3A = arith.constant dense<0.000000e+00> : vector<512x256xf32>
    %dot_general3A_8 = tpu.matmul %get3A_1, %slice3A, %dot_general3A {dimension_numbers = #tpu.dot_dimension_numbers<[1], [0], [0], [1], [0, 0, 1, 1], [], []>, transpose_lhs_hint = false} : vector<512x40xf32>, vector<40x256xf32>, vector<512x256xf32> -> vector<512x256xf32>
    %bitcast_convert_type3A = tpu.bitcast %dot_general3A_8 : vector<512x256xf32> -> vector<512x256xi32>
    %and3A = arith.constant -256 : i32
    %and3A_9 = vector.broadcast %and3A : i32 to vector<512x256xi32>
    %and3A_10 = arith.andi %bitcast_convert_type3A, %and3A_9 : vector<512x256xi32>
    %or3A = vector.broadcast %get3A_7 : vector<1x256xi32> to vector<512x256xi32>
    %or3A_11 = arith.ori %and3A_10, %or3A : vector<512x256xi32>
    %bitcast_convert_type3A_12 = tpu.bitcast %or3A_11 : vector<512x256xi32> -> vector<512x256xf32>
    %reduce_min3A = arith.constant dense<0x7F800000> : vector<512xf32>
    %reduce_min3A_13 = vector.multi_reduction <minimumf>, %bitcast_convert_type3A_12, %reduce_min3A [1] : vector<512x256xf32> to vector<512xf32>
    %bitcast_convert_type3A_14 = tpu.bitcast %reduce_min3A_13 : vector<512xf32> -> vector<512xi32>
    %and3A_15 = arith.constant 255 : i32
    %and3A_16 = vector.broadcast %and3A_15 : i32 to vector<512xi32>
    %and3A_17 = arith.andi %bitcast_convert_type3A_14, %and3A_16 : vector<512xi32>
    %add3A = arith.constant 0 : i32
    %add3A_18 = vector.broadcast %add3A : i32 to vector<512xi32>
    %add3A_19 = arith.addi %and3A_17, %add3A_18 : vector<512xi32>
    %slice3A_20 = vector.extract_strided_slice %get3A_4 {offsets = [0, 256], sizes = [40, 256], strides = [1, 1]} : vector<40x8192xf32> to vector<40x256xf32>
    %dot_general3A_21 = arith.constant dense<0.000000e+00> : vector<512x256xf32>
    %dot_general3A_22 = tpu.matmul %get3A_1, %slice3A_20, %dot_general3A_21 {dimension_numbers = #tpu.dot_dimension_numbers<[1], [0], [0], [1], [0, 0, 1, 1], [], []>, transpose_lhs_hint = false} : vector<512x40xf32>, vector<40x256xf32>, vector<512x256xf32> -> vector<512x256xf32>
    %bitcast_convert_type3A_23 = tpu.bitcast %dot_general3A_22 : vector<512x256xf32> -> vector<512x256xi32>
    %and3A_24 = arith.constant -256 : i32
    %and3A_25 = vector.broadcast %and3A_24 : i32 to vector<512x256xi32>
    %and3A_26 = arith.andi %bitcast_convert_type3A_23, %and3A_25 : vector<512x256xi32>
    %or3A_27 = vector.broadcast %get3A_7 : vector<1x256xi32> to vector<512x256xi32>
    %or3A_28 = arith.ori %and3A_26, %or3A_27 : vector<512x256xi32>
    %bitcast_convert_type3A_29 = tpu.bitcast %or3A_28 : vector<512x256xi32> -> vector<512x256xf32>
    %reduce_min3A_30 = arith.constant dense<0x7F800000> : vector<512xf32>
    %reduce_min3A_31 = vector.multi_reduction <minimumf>, %bitcast_convert_type3A_29, %reduce_min3A_30 [1] : vector<512x256xf32> to vector<512xf32>
    %bitcast_convert_type3A_32 = tpu.bitcast %reduce_min3A_31 : vector<512xf32> -> vector<512xi32>
    %and3A_33 = arith.constant 255 : i32
    %and3A_34 = vector.broadcast %and3A_33 : i32 to vector<512xi32>
    %and3A_35 = arith.andi %bitcast_convert_type3A_32, %and3A_34 : vector<512xi32>
    %add3A_36 = arith.constant 256 : i32
    %add3A_37 = vector.broadcast %add3A_36 : i32 to vector<512xi32>
    %add3A_38 = arith.addi %and3A_35, %add3A_37 : vector<512xi32>
    %lt3A = arith.cmpf olt, %reduce_min3A_31, %reduce_min3A_13 : vector<512xf32>
    %select_n3A = arith.select %lt3A, %reduce_min3A_31, %reduce_min3A_13 : vector<512xi1>, vector<512xf32>
    %select_n3A_39 = arith.select %lt3A, %add3A_38, %add3A_19 : vector<512xi1>, vector<512xi32>
    %slice3A_40 = vector.extract_strided_slice %get3A_4 {offsets = [0, 512], sizes = [40, 256], strides = [1, 1]} : vector<40x8192xf32> to vector<40x256xf32>
    %dot_general3A_41 = arith.constant dense<0.000000e+00> : vector<512x256xf32>
    %dot_general3A_42 = tpu.matmul %get3A_1, %slice3A_40, %dot_general3A_41 {dimension_numbers = #tpu.dot_dimension_numbers<[1], [0], [0], [1], [0, 0, 1, 1], [], []>, transpose_lhs_hint = false} : vector<512x40xf32>, vector<40x256xf32>, vector<512x256xf32> -> vector<512x256xf32>
    %bitcast_convert_type3A_43 = tpu.bitcast %dot_general3A_42 : vector<512x256xf32> -> vector<512x256xi32>
    %and3A_44 = arith.constant -256 : i32
    %and3A_45 = vector.broadcast %and3A_44 : i32 to vector<512x256xi32>
    %and3A_46 = arith.andi %bitcast_convert_type3A_43, %and3A_45 : vector<512x256xi32>
    %or3A_47 = vector.broadcast %get3A_7 : vector<1x256xi32> to vector<512x256xi32>
    %or3A_48 = arith.ori %and3A_46, %or3A_47 : vector<512x256xi32>
    %bitcast_convert_type3A_49 = tpu.bitcast %or3A_48 : vector<512x256xi32> -> vector<512x256xf32>
    %reduce_min3A_50 = arith.constant dense<0x7F800000> : vector<512xf32>
    %reduce_min3A_51 = vector.multi_reduction <minimumf>, %bitcast_convert_type3A_49, %reduce_min3A_50 [1] : vector<512x256xf32> to vector<512xf32>
    %bitcast_convert_type3A_52 = tpu.bitcast %reduce_min3A_51 : vector<512xf32> -> vector<512xi32>
    %and3A_53 = arith.constant 255 : i32
    %and3A_54 = vector.broadcast %and3A_53 : i32 to vector<512xi32>
    %and3A_55 = arith.andi %bitcast_convert_type3A_52, %and3A_54 : vector<512xi32>
    %add3A_56 = arith.constant 512 : i32
    %add3A_57 = vector.broadcast %add3A_56 : i32 to vector<512xi32>
    %add3A_58 = arith.addi %and3A_55, %add3A_57 : vector<512xi32>
    %lt3A_59 = arith.cmpf olt, %reduce_min3A_51, %select_n3A : vector<512xf32>
    %select_n3A_60 = arith.select %lt3A_59, %reduce_min3A_51, %select_n3A : vector<512xi1>, vector<512xf32>
    %select_n3A_61 = arith.select %lt3A_59, %add3A_58, %select_n3A_39 : vector<512xi1>, vector<512xi32>
    %slice3A_62 = vector.extract_strided_slice %get3A_4 {offsets = [0, 768], sizes = [40, 256], strides = [1, 1]} : vector<40x8192xf32> to vector<40x256xf32>
    %dot_general3A_63 = arith.constant dense<0.000000e+00> : vector<512x256xf32>
    %dot_general3A_64 = tpu.matmul %get3A_1, %slice3A_62, %dot_general3A_63 {dimension_numbers = #tpu.dot_dimension_numbers<[1], [0], [0], [1], [0, 0, 1, 1], [], []>, transpose_lhs_hint = false} : vector<512x40xf32>, vector<40x256xf32>, vector<512x256xf32> -> vector<512x256xf32>
    %bitcast_convert_type3A_65 = tpu.bitcast %dot_general3A_64 : vector<512x256xf32> -> vector<512x256xi32>
    %and3A_66 = arith.constant -256 : i32
    %and3A_67 = vector.broadcast %and3A_66 : i32 to vector<512x256xi32>
    %and3A_68 = arith.andi %bitcast_convert_type3A_65, %and3A_67 : vector<512x256xi32>
    %or3A_69 = vector.broadcast %get3A_7 : vector<1x256xi32> to vector<512x256xi32>
    %or3A_70 = arith.ori %and3A_68, %or3A_69 : vector<512x256xi32>
    %bitcast_convert_type3A_71 = tpu.bitcast %or3A_70 : vector<512x256xi32> -> vector<512x256xf32>
    %reduce_min3A_72 = arith.constant dense<0x7F800000> : vector<512xf32>
    %reduce_min3A_73 = vector.multi_reduction <minimumf>, %bitcast_convert_type3A_71, %reduce_min3A_72 [1] : vector<512x256xf32> to vector<512xf32>
    %bitcast_convert_type3A_74 = tpu.bitcast %reduce_min3A_73 : vector<512xf32> -> vector<512xi32>
    %and3A_75 = arith.constant 255 : i32
    %and3A_76 = vector.broadcast %and3A_75 : i32 to vector<512xi32>
    %and3A_77 = arith.andi %bitcast_convert_type3A_74, %and3A_76 : vector<512xi32>
    %add3A_78 = arith.constant 768 : i32
    %add3A_79 = vector.broadcast %add3A_78 : i32 to vector<512xi32>
    %add3A_80 = arith.addi %and3A_77, %add3A_79 : vector<512xi32>
    %lt3A_81 = arith.cmpf olt, %reduce_min3A_73, %select_n3A_60 : vector<512xf32>
    %select_n3A_82 = arith.select %lt3A_81, %reduce_min3A_73, %select_n3A_60 : vector<512xi1>, vector<512xf32>
    %select_n3A_83 = arith.select %lt3A_81, %add3A_80, %select_n3A_61 : vector<512xi1>, vector<512xi32>
    %slice3A_84 = vector.extract_strided_slice %get3A_4 {offsets = [0, 1024], sizes = [40, 256], strides = [1, 1]} : vector<40x8192xf32> to vector<40x256xf32>
    %dot_general3A_85 = arith.constant dense<0.000000e+00> : vector<512x256xf32>
    %dot_general3A_86 = tpu.matmul %get3A_1, %slice3A_84, %dot_general3A_85 {dimension_numbers = #tpu.dot_dimension_numbers<[1], [0], [0], [1], [0, 0, 1, 1], [], []>, transpose_lhs_hint = false} : vector<512x40xf32>, vector<40x256xf32>, vector<512x256xf32> -> vector<512x256xf32>
    %bitcast_convert_type3A_87 = tpu.bitcast %dot_general3A_86 : vector<512x256xf32> -> vector<512x256xi32>
    %and3A_88 = arith.constant -256 : i32
    %and3A_89 = vector.broadcast %and3A_88 : i32 to vector<512x256xi32>
    %and3A_90 = arith.andi %bitcast_convert_type3A_87, %and3A_89 : vector<512x256xi32>
    %or3A_91 = vector.broadcast %get3A_7 : vector<1x256xi32> to vector<512x256xi32>
    %or3A_92 = arith.ori %and3A_90, %or3A_91 : vector<512x256xi32>
    %bitcast_convert_type3A_93 = tpu.bitcast %or3A_92 : vector<512x256xi32> -> vector<512x256xf32>
    %reduce_min3A_94 = arith.constant dense<0x7F800000> : vector<512xf32>
    %reduce_min3A_95 = vector.multi_reduction <minimumf>, %bitcast_convert_type3A_93, %reduce_min3A_94 [1] : vector<512x256xf32> to vector<512xf32>
    %bitcast_convert_type3A_96 = tpu.bitcast %reduce_min3A_95 : vector<512xf32> -> vector<512xi32>
    %and3A_97 = arith.constant 255 : i32
    %and3A_98 = vector.broadcast %and3A_97 : i32 to vector<512xi32>
    %and3A_99 = arith.andi %bitcast_convert_type3A_96, %and3A_98 : vector<512xi32>
    %add3A_100 = arith.constant 1024 : i32
    %add3A_101 = vector.broadcast %add3A_100 : i32 to vector<512xi32>
    %add3A_102 = arith.addi %and3A_99, %add3A_101 : vector<512xi32>
    %lt3A_103 = arith.cmpf olt, %reduce_min3A_95, %select_n3A_82 : vector<512xf32>
    %select_n3A_104 = arith.select %lt3A_103, %reduce_min3A_95, %select_n3A_82 : vector<512xi1>, vector<512xf32>
    %select_n3A_105 = arith.select %lt3A_103, %add3A_102, %select_n3A_83 : vector<512xi1>, vector<512xi32>
    %slice3A_106 = vector.extract_strided_slice %get3A_4 {offsets = [0, 1280], sizes = [40, 256], strides = [1, 1]} : vector<40x8192xf32> to vector<40x256xf32>
    %dot_general3A_107 = arith.constant dense<0.000000e+00> : vector<512x256xf32>
    %dot_general3A_108 = tpu.matmul %get3A_1, %slice3A_106, %dot_general3A_107 {dimension_numbers = #tpu.dot_dimension_numbers<[1], [0], [0], [1], [0, 0, 1, 1], [], []>, transpose_lhs_hint = false} : vector<512x40xf32>, vector<40x256xf32>, vector<512x256xf32> -> vector<512x256xf32>
    %bitcast_convert_type3A_109 = tpu.bitcast %dot_general3A_108 : vector<512x256xf32> -> vector<512x256xi32>
    %and3A_110 = arith.constant -256 : i32
    %and3A_111 = vector.broadcast %and3A_110 : i32 to vector<512x256xi32>
    %and3A_112 = arith.andi %bitcast_convert_type3A_109, %and3A_111 : vector<512x256xi32>
    %or3A_113 = vector.broadcast %get3A_7 : vector<1x256xi32> to vector<512x256xi32>
    %or3A_114 = arith.ori %and3A_112, %or3A_113 : vector<512x256xi32>
    %bitcast_convert_type3A_115 = tpu.bitcast %or3A_114 : vector<512x256xi32> -> vector<512x256xf32>
    %reduce_min3A_116 = arith.constant dense<0x7F800000> : vector<512xf32>
    %reduce_min3A_117 = vector.multi_reduction <minimumf>, %bitcast_convert_type3A_115, %reduce_min3A_116 [1] : vector<512x256xf32> to vector<512xf32>
    %bitcast_convert_type3A_118 = tpu.bitcast %reduce_min3A_117 : vector<512xf32> -> vector<512xi32>
    %and3A_119 = arith.constant 255 : i32
    %and3A_120 = vector.broadcast %and3A_119 : i32 to vector<512xi32>
    %and3A_121 = arith.andi %bitcast_convert_type3A_118, %and3A_120 : vector<512xi32>
    %add3A_122 = arith.constant 1280 : i32
    %add3A_123 = vector.broadcast %add3A_122 : i32 to vector<512xi32>
    %add3A_124 = arith.addi %and3A_121, %add3A_123 : vector<512xi32>
    %lt3A_125 = arith.cmpf olt, %reduce_min3A_117, %select_n3A_104 : vector<512xf32>
    %select_n3A_126 = arith.select %lt3A_125, %reduce_min3A_117, %select_n3A_104 : vector<512xi1>, vector<512xf32>
    %select_n3A_127 = arith.select %lt3A_125, %add3A_124, %select_n3A_105 : vector<512xi1>, vector<512xi32>
    %slice3A_128 = vector.extract_strided_slice %get3A_4 {offsets = [0, 1536], sizes = [40, 256], strides = [1, 1]} : vector<40x8192xf32> to vector<40x256xf32>
    %dot_general3A_129 = arith.constant dense<0.000000e+00> : vector<512x256xf32>
    %dot_general3A_130 = tpu.matmul %get3A_1, %slice3A_128, %dot_general3A_129 {dimension_numbers = #tpu.dot_dimension_numbers<[1], [0], [0], [1], [0, 0, 1, 1], [], []>, transpose_lhs_hint = false} : vector<512x40xf32>, vector<40x256xf32>, vector<512x256xf32> -> vector<512x256xf32>
    %bitcast_convert_type3A_131 = tpu.bitcast %dot_general3A_130 : vector<512x256xf32> -> vector<512x256xi32>
    %and3A_132 = arith.constant -256 : i32
    %and3A_133 = vector.broadcast %and3A_132 : i32 to vector<512x256xi32>
    %and3A_134 = arith.andi %bitcast_convert_type3A_131, %and3A_133 : vector<512x256xi32>
    %or3A_135 = vector.broadcast %get3A_7 : vector<1x256xi32> to vector<512x256xi32>
    %or3A_136 = arith.ori %and3A_134, %or3A_135 : vector<512x256xi32>
    %bitcast_convert_type3A_137 = tpu.bitcast %or3A_136 : vector<512x256xi32> -> vector<512x256xf32>
    %reduce_min3A_138 = arith.constant dense<0x7F800000> : vector<512xf32>
    %reduce_min3A_139 = vector.multi_reduction <minimumf>, %bitcast_convert_type3A_137, %reduce_min3A_138 [1] : vector<512x256xf32> to vector<512xf32>
    %bitcast_convert_type3A_140 = tpu.bitcast %reduce_min3A_139 : vector<512xf32> -> vector<512xi32>
    %and3A_141 = arith.constant 255 : i32
    %and3A_142 = vector.broadcast %and3A_141 : i32 to vector<512xi32>
    %and3A_143 = arith.andi %bitcast_convert_type3A_140, %and3A_142 : vector<512xi32>
    %add3A_144 = arith.constant 1536 : i32
    %add3A_145 = vector.broadcast %add3A_144 : i32 to vector<512xi32>
    %add3A_146 = arith.addi %and3A_143, %add3A_145 : vector<512xi32>
    %lt3A_147 = arith.cmpf olt, %reduce_min3A_139, %select_n3A_126 : vector<512xf32>
    %select_n3A_148 = arith.select %lt3A_147, %reduce_min3A_139, %select_n3A_126 : vector<512xi1>, vector<512xf32>
    %select_n3A_149 = arith.select %lt3A_147, %add3A_146, %select_n3A_127 : vector<512xi1>, vector<512xi32>
    %slice3A_150 = vector.extract_strided_slice %get3A_4 {offsets = [0, 1792], sizes = [40, 256], strides = [1, 1]} : vector<40x8192xf32> to vector<40x256xf32>
    %dot_general3A_151 = arith.constant dense<0.000000e+00> : vector<512x256xf32>
    %dot_general3A_152 = tpu.matmul %get3A_1, %slice3A_150, %dot_general3A_151 {dimension_numbers = #tpu.dot_dimension_numbers<[1], [0], [0], [1], [0, 0, 1, 1], [], []>, transpose_lhs_hint = false} : vector<512x40xf32>, vector<40x256xf32>, vector<512x256xf32> -> vector<512x256xf32>
    %bitcast_convert_type3A_153 = tpu.bitcast %dot_general3A_152 : vector<512x256xf32> -> vector<512x256xi32>
    %and3A_154 = arith.constant -256 : i32
    %and3A_155 = vector.broadcast %and3A_154 : i32 to vector<512x256xi32>
    %and3A_156 = arith.andi %bitcast_convert_type3A_153, %and3A_155 : vector<512x256xi32>
    %or3A_157 = vector.broadcast %get3A_7 : vector<1x256xi32> to vector<512x256xi32>
    %or3A_158 = arith.ori %and3A_156, %or3A_157 : vector<512x256xi32>
    %bitcast_convert_type3A_159 = tpu.bitcast %or3A_158 : vector<512x256xi32> -> vector<512x256xf32>
    %reduce_min3A_160 = arith.constant dense<0x7F800000> : vector<512xf32>
    %reduce_min3A_161 = vector.multi_reduction <minimumf>, %bitcast_convert_type3A_159, %reduce_min3A_160 [1] : vector<512x256xf32> to vector<512xf32>
    %bitcast_convert_type3A_162 = tpu.bitcast %reduce_min3A_161 : vector<512xf32> -> vector<512xi32>
    %and3A_163 = arith.constant 255 : i32
    %and3A_164 = vector.broadcast %and3A_163 : i32 to vector<512xi32>
    %and3A_165 = arith.andi %bitcast_convert_type3A_162, %and3A_164 : vector<512xi32>
    %add3A_166 = arith.constant 1792 : i32
    %add3A_167 = vector.broadcast %add3A_166 : i32 to vector<512xi32>
    %add3A_168 = arith.addi %and3A_165, %add3A_167 : vector<512xi32>
    %lt3A_169 = arith.cmpf olt, %reduce_min3A_161, %select_n3A_148 : vector<512xf32>
    %select_n3A_170 = arith.select %lt3A_169, %reduce_min3A_161, %select_n3A_148 : vector<512xi1>, vector<512xf32>
    %select_n3A_171 = arith.select %lt3A_169, %add3A_168, %select_n3A_149 : vector<512xi1>, vector<512xi32>
    %slice3A_172 = vector.extract_strided_slice %get3A_4 {offsets = [0, 2048], sizes = [40, 256], strides = [1, 1]} : vector<40x8192xf32> to vector<40x256xf32>
    %dot_general3A_173 = arith.constant dense<0.000000e+00> : vector<512x256xf32>
    %dot_general3A_174 = tpu.matmul %get3A_1, %slice3A_172, %dot_general3A_173 {dimension_numbers = #tpu.dot_dimension_numbers<[1], [0], [0], [1], [0, 0, 1, 1], [], []>, transpose_lhs_hint = false} : vector<512x40xf32>, vector<40x256xf32>, vector<512x256xf32> -> vector<512x256xf32>
    %bitcast_convert_type3A_175 = tpu.bitcast %dot_general3A_174 : vector<512x256xf32> -> vector<512x256xi32>
    %and3A_176 = arith.constant -256 : i32
    %and3A_177 = vector.broadcast %and3A_176 : i32 to vector<512x256xi32>
    %and3A_178 = arith.andi %bitcast_convert_type3A_175, %and3A_177 : vector<512x256xi32>
    %or3A_179 = vector.broadcast %get3A_7 : vector<1x256xi32> to vector<512x256xi32>
    %or3A_180 = arith.ori %and3A_178, %or3A_179 : vector<512x256xi32>
    %bitcast_convert_type3A_181 = tpu.bitcast %or3A_180 : vector<512x256xi32> -> vector<512x256xf32>
    %reduce_min3A_182 = arith.constant dense<0x7F800000> : vector<512xf32>
    %reduce_min3A_183 = vector.multi_reduction <minimumf>, %bitcast_convert_type3A_181, %reduce_min3A_182 [1] : vector<512x256xf32> to vector<512xf32>
    %bitcast_convert_type3A_184 = tpu.bitcast %reduce_min3A_183 : vector<512xf32> -> vector<512xi32>
    %and3A_185 = arith.constant 255 : i32
    %and3A_186 = vector.broadcast %and3A_185 : i32 to vector<512xi32>
    %and3A_187 = arith.andi %bitcast_convert_type3A_184, %and3A_186 : vector<512xi32>
    %add3A_188 = arith.constant 2048 : i32
    %add3A_189 = vector.broadcast %add3A_188 : i32 to vector<512xi32>
    %add3A_190 = arith.addi %and3A_187, %add3A_189 : vector<512xi32>
    %lt3A_191 = arith.cmpf olt, %reduce_min3A_183, %select_n3A_170 : vector<512xf32>
    %select_n3A_192 = arith.select %lt3A_191, %reduce_min3A_183, %select_n3A_170 : vector<512xi1>, vector<512xf32>
    %select_n3A_193 = arith.select %lt3A_191, %add3A_190, %select_n3A_171 : vector<512xi1>, vector<512xi32>
    %slice3A_194 = vector.extract_strided_slice %get3A_4 {offsets = [0, 2304], sizes = [40, 256], strides = [1, 1]} : vector<40x8192xf32> to vector<40x256xf32>
    %dot_general3A_195 = arith.constant dense<0.000000e+00> : vector<512x256xf32>
    %dot_general3A_196 = tpu.matmul %get3A_1, %slice3A_194, %dot_general3A_195 {dimension_numbers = #tpu.dot_dimension_numbers<[1], [0], [0], [1], [0, 0, 1, 1], [], []>, transpose_lhs_hint = false} : vector<512x40xf32>, vector<40x256xf32>, vector<512x256xf32> -> vector<512x256xf32>
    %bitcast_convert_type3A_197 = tpu.bitcast %dot_general3A_196 : vector<512x256xf32> -> vector<512x256xi32>
    %and3A_198 = arith.constant -256 : i32
    %and3A_199 = vector.broadcast %and3A_198 : i32 to vector<512x256xi32>
    %and3A_200 = arith.andi %bitcast_convert_type3A_197, %and3A_199 : vector<512x256xi32>
    %or3A_201 = vector.broadcast %get3A_7 : vector<1x256xi32> to vector<512x256xi32>
    %or3A_202 = arith.ori %and3A_200, %or3A_201 : vector<512x256xi32>
    %bitcast_convert_type3A_203 = tpu.bitcast %or3A_202 : vector<512x256xi32> -> vector<512x256xf32>
    %reduce_min3A_204 = arith.constant dense<0x7F800000> : vector<512xf32>
    %reduce_min3A_205 = vector.multi_reduction <minimumf>, %bitcast_convert_type3A_203, %reduce_min3A_204 [1] : vector<512x256xf32> to vector<512xf32>
    %bitcast_convert_type3A_206 = tpu.bitcast %reduce_min3A_205 : vector<512xf32> -> vector<512xi32>
    %and3A_207 = arith.constant 255 : i32
    %and3A_208 = vector.broadcast %and3A_207 : i32 to vector<512xi32>
    %and3A_209 = arith.andi %bitcast_convert_type3A_206, %and3A_208 : vector<512xi32>
    %add3A_210 = arith.constant 2304 : i32
    %add3A_211 = vector.broadcast %add3A_210 : i32 to vector<512xi32>
    %add3A_212 = arith.addi %and3A_209, %add3A_211 : vector<512xi32>
    %lt3A_213 = arith.cmpf olt, %reduce_min3A_205, %select_n3A_192 : vector<512xf32>
    %select_n3A_214 = arith.select %lt3A_213, %reduce_min3A_205, %select_n3A_192 : vector<512xi1>, vector<512xf32>
    %select_n3A_215 = arith.select %lt3A_213, %add3A_212, %select_n3A_193 : vector<512xi1>, vector<512xi32>
    %slice3A_216 = vector.extract_strided_slice %get3A_4 {offsets = [0, 2560], sizes = [40, 256], strides = [1, 1]} : vector<40x8192xf32> to vector<40x256xf32>
    %dot_general3A_217 = arith.constant dense<0.000000e+00> : vector<512x256xf32>
    %dot_general3A_218 = tpu.matmul %get3A_1, %slice3A_216, %dot_general3A_217 {dimension_numbers = #tpu.dot_dimension_numbers<[1], [0], [0], [1], [0, 0, 1, 1], [], []>, transpose_lhs_hint = false} : vector<512x40xf32>, vector<40x256xf32>, vector<512x256xf32> -> vector<512x256xf32>
    %bitcast_convert_type3A_219 = tpu.bitcast %dot_general3A_218 : vector<512x256xf32> -> vector<512x256xi32>
    %and3A_220 = arith.constant -256 : i32
    %and3A_221 = vector.broadcast %and3A_220 : i32 to vector<512x256xi32>
    %and3A_222 = arith.andi %bitcast_convert_type3A_219, %and3A_221 : vector<512x256xi32>
    %or3A_223 = vector.broadcast %get3A_7 : vector<1x256xi32> to vector<512x256xi32>
    %or3A_224 = arith.ori %and3A_222, %or3A_223 : vector<512x256xi32>
    %bitcast_convert_type3A_225 = tpu.bitcast %or3A_224 : vector<512x256xi32> -> vector<512x256xf32>
    %reduce_min3A_226 = arith.constant dense<0x7F800000> : vector<512xf32>
    %reduce_min3A_227 = vector.multi_reduction <minimumf>, %bitcast_convert_type3A_225, %reduce_min3A_226 [1] : vector<512x256xf32> to vector<512xf32>
    %bitcast_convert_type3A_228 = tpu.bitcast %reduce_min3A_227 : vector<512xf32> -> vector<512xi32>
    %and3A_229 = arith.constant 255 : i32
    %and3A_230 = vector.broadcast %and3A_229 : i32 to vector<512xi32>
    %and3A_231 = arith.andi %bitcast_convert_type3A_228, %and3A_230 : vector<512xi32>
    %add3A_232 = arith.constant 2560 : i32
    %add3A_233 = vector.broadcast %add3A_232 : i32 to vector<512xi32>
    %add3A_234 = arith.addi %and3A_231, %add3A_233 : vector<512xi32>
    %lt3A_235 = arith.cmpf olt, %reduce_min3A_227, %select_n3A_214 : vector<512xf32>
    %select_n3A_236 = arith.select %lt3A_235, %reduce_min3A_227, %select_n3A_214 : vector<512xi1>, vector<512xf32>
    %select_n3A_237 = arith.select %lt3A_235, %add3A_234, %select_n3A_215 : vector<512xi1>, vector<512xi32>
    %slice3A_238 = vector.extract_strided_slice %get3A_4 {offsets = [0, 2816], sizes = [40, 256], strides = [1, 1]} : vector<40x8192xf32> to vector<40x256xf32>
    %dot_general3A_239 = arith.constant dense<0.000000e+00> : vector<512x256xf32>
    %dot_general3A_240 = tpu.matmul %get3A_1, %slice3A_238, %dot_general3A_239 {dimension_numbers = #tpu.dot_dimension_numbers<[1], [0], [0], [1], [0, 0, 1, 1], [], []>, transpose_lhs_hint = false} : vector<512x40xf32>, vector<40x256xf32>, vector<512x256xf32> -> vector<512x256xf32>
    %bitcast_convert_type3A_241 = tpu.bitcast %dot_general3A_240 : vector<512x256xf32> -> vector<512x256xi32>
    %and3A_242 = arith.constant -256 : i32
    %and3A_243 = vector.broadcast %and3A_242 : i32 to vector<512x256xi32>
    %and3A_244 = arith.andi %bitcast_convert_type3A_241, %and3A_243 : vector<512x256xi32>
    %or3A_245 = vector.broadcast %get3A_7 : vector<1x256xi32> to vector<512x256xi32>
    %or3A_246 = arith.ori %and3A_244, %or3A_245 : vector<512x256xi32>
    %bitcast_convert_type3A_247 = tpu.bitcast %or3A_246 : vector<512x256xi32> -> vector<512x256xf32>
    %reduce_min3A_248 = arith.constant dense<0x7F800000> : vector<512xf32>
    %reduce_min3A_249 = vector.multi_reduction <minimumf>, %bitcast_convert_type3A_247, %reduce_min3A_248 [1] : vector<512x256xf32> to vector<512xf32>
    %bitcast_convert_type3A_250 = tpu.bitcast %reduce_min3A_249 : vector<512xf32> -> vector<512xi32>
    %and3A_251 = arith.constant 255 : i32
    %and3A_252 = vector.broadcast %and3A_251 : i32 to vector<512xi32>
    %and3A_253 = arith.andi %bitcast_convert_type3A_250, %and3A_252 : vector<512xi32>
    %add3A_254 = arith.constant 2816 : i32
    %add3A_255 = vector.broadcast %add3A_254 : i32 to vector<512xi32>
    %add3A_256 = arith.addi %and3A_253, %add3A_255 : vector<512xi32>
    %lt3A_257 = arith.cmpf olt, %reduce_min3A_249, %select_n3A_236 : vector<512xf32>
    %select_n3A_258 = arith.select %lt3A_257, %reduce_min3A_249, %select_n3A_236 : vector<512xi1>, vector<512xf32>
    %select_n3A_259 = arith.select %lt3A_257, %add3A_256, %select_n3A_237 : vector<512xi1>, vector<512xi32>
    %slice3A_260 = vector.extract_strided_slice %get3A_4 {offsets = [0, 3072], sizes = [40, 256], strides = [1, 1]} : vector<40x8192xf32> to vector<40x256xf32>
    %dot_general3A_261 = arith.constant dense<0.000000e+00> : vector<512x256xf32>
    %dot_general3A_262 = tpu.matmul %get3A_1, %slice3A_260, %dot_general3A_261 {dimension_numbers = #tpu.dot_dimension_numbers<[1], [0], [0], [1], [0, 0, 1, 1], [], []>, transpose_lhs_hint = false} : vector<512x40xf32>, vector<40x256xf32>, vector<512x256xf32> -> vector<512x256xf32>
    %bitcast_convert_type3A_263 = tpu.bitcast %dot_general3A_262 : vector<512x256xf32> -> vector<512x256xi32>
    %and3A_264 = arith.constant -256 : i32
    %and3A_265 = vector.broadcast %and3A_264 : i32 to vector<512x256xi32>
    %and3A_266 = arith.andi %bitcast_convert_type3A_263, %and3A_265 : vector<512x256xi32>
    %or3A_267 = vector.broadcast %get3A_7 : vector<1x256xi32> to vector<512x256xi32>
    %or3A_268 = arith.ori %and3A_266, %or3A_267 : vector<512x256xi32>
    %bitcast_convert_type3A_269 = tpu.bitcast %or3A_268 : vector<512x256xi32> -> vector<512x256xf32>
    %reduce_min3A_270 = arith.constant dense<0x7F800000> : vector<512xf32>
    %reduce_min3A_271 = vector.multi_reduction <minimumf>, %bitcast_convert_type3A_269, %reduce_min3A_270 [1] : vector<512x256xf32> to vector<512xf32>
    %bitcast_convert_type3A_272 = tpu.bitcast %reduce_min3A_271 : vector<512xf32> -> vector<512xi32>
    %and3A_273 = arith.constant 255 : i32
    %and3A_274 = vector.broadcast %and3A_273 : i32 to vector<512xi32>
    %and3A_275 = arith.andi %bitcast_convert_type3A_272, %and3A_274 : vector<512xi32>
    %add3A_276 = arith.constant 3072 : i32
    %add3A_277 = vector.broadcast %add3A_276 : i32 to vector<512xi32>
    %add3A_278 = arith.addi %and3A_275, %add3A_277 : vector<512xi32>
    %lt3A_279 = arith.cmpf olt, %reduce_min3A_271, %select_n3A_258 : vector<512xf32>
    %select_n3A_280 = arith.select %lt3A_279, %reduce_min3A_271, %select_n3A_258 : vector<512xi1>, vector<512xf32>
    %select_n3A_281 = arith.select %lt3A_279, %add3A_278, %select_n3A_259 : vector<512xi1>, vector<512xi32>
    %slice3A_282 = vector.extract_strided_slice %get3A_4 {offsets = [0, 3328], sizes = [40, 256], strides = [1, 1]} : vector<40x8192xf32> to vector<40x256xf32>
    %dot_general3A_283 = arith.constant dense<0.000000e+00> : vector<512x256xf32>
    %dot_general3A_284 = tpu.matmul %get3A_1, %slice3A_282, %dot_general3A_283 {dimension_numbers = #tpu.dot_dimension_numbers<[1], [0], [0], [1], [0, 0, 1, 1], [], []>, transpose_lhs_hint = false} : vector<512x40xf32>, vector<40x256xf32>, vector<512x256xf32> -> vector<512x256xf32>
    %bitcast_convert_type3A_285 = tpu.bitcast %dot_general3A_284 : vector<512x256xf32> -> vector<512x256xi32>
    %and3A_286 = arith.constant -256 : i32
    %and3A_287 = vector.broadcast %and3A_286 : i32 to vector<512x256xi32>
    %and3A_288 = arith.andi %bitcast_convert_type3A_285, %and3A_287 : vector<512x256xi32>
    %or3A_289 = vector.broadcast %get3A_7 : vector<1x256xi32> to vector<512x256xi32>
    %or3A_290 = arith.ori %and3A_288, %or3A_289 : vector<512x256xi32>
    %bitcast_convert_type3A_291 = tpu.bitcast %or3A_290 : vector<512x256xi32> -> vector<512x256xf32>
    %reduce_min3A_292 = arith.constant dense<0x7F800000> : vector<512xf32>
    %reduce_min3A_293 = vector.multi_reduction <minimumf>, %bitcast_convert_type3A_291, %reduce_min3A_292 [1] : vector<512x256xf32> to vector<512xf32>
    %bitcast_convert_type3A_294 = tpu.bitcast %reduce_min3A_293 : vector<512xf32> -> vector<512xi32>
    %and3A_295 = arith.constant 255 : i32
    %and3A_296 = vector.broadcast %and3A_295 : i32 to vector<512xi32>
    %and3A_297 = arith.andi %bitcast_convert_type3A_294, %and3A_296 : vector<512xi32>
    %add3A_298 = arith.constant 3328 : i32
    %add3A_299 = vector.broadcast %add3A_298 : i32 to vector<512xi32>
    %add3A_300 = arith.addi %and3A_297, %add3A_299 : vector<512xi32>
    %lt3A_301 = arith.cmpf olt, %reduce_min3A_293, %select_n3A_280 : vector<512xf32>
    %select_n3A_302 = arith.select %lt3A_301, %reduce_min3A_293, %select_n3A_280 : vector<512xi1>, vector<512xf32>
    %select_n3A_303 = arith.select %lt3A_301, %add3A_300, %select_n3A_281 : vector<512xi1>, vector<512xi32>
    %slice3A_304 = vector.extract_strided_slice %get3A_4 {offsets = [0, 3584], sizes = [40, 256], strides = [1, 1]} : vector<40x8192xf32> to vector<40x256xf32>
    %dot_general3A_305 = arith.constant dense<0.000000e+00> : vector<512x256xf32>
    %dot_general3A_306 = tpu.matmul %get3A_1, %slice3A_304, %dot_general3A_305 {dimension_numbers = #tpu.dot_dimension_numbers<[1], [0], [0], [1], [0, 0, 1, 1], [], []>, transpose_lhs_hint = false} : vector<512x40xf32>, vector<40x256xf32>, vector<512x256xf32> -> vector<512x256xf32>
    %bitcast_convert_type3A_307 = tpu.bitcast %dot_general3A_306 : vector<512x256xf32> -> vector<512x256xi32>
    %and3A_308 = arith.constant -256 : i32
    %and3A_309 = vector.broadcast %and3A_308 : i32 to vector<512x256xi32>
    %and3A_310 = arith.andi %bitcast_convert_type3A_307, %and3A_309 : vector<512x256xi32>
    %or3A_311 = vector.broadcast %get3A_7 : vector<1x256xi32> to vector<512x256xi32>
    %or3A_312 = arith.ori %and3A_310, %or3A_311 : vector<512x256xi32>
    %bitcast_convert_type3A_313 = tpu.bitcast %or3A_312 : vector<512x256xi32> -> vector<512x256xf32>
    %reduce_min3A_314 = arith.constant dense<0x7F800000> : vector<512xf32>
    %reduce_min3A_315 = vector.multi_reduction <minimumf>, %bitcast_convert_type3A_313, %reduce_min3A_314 [1] : vector<512x256xf32> to vector<512xf32>
    %bitcast_convert_type3A_316 = tpu.bitcast %reduce_min3A_315 : vector<512xf32> -> vector<512xi32>
    %and3A_317 = arith.constant 255 : i32
    %and3A_318 = vector.broadcast %and3A_317 : i32 to vector<512xi32>
    %and3A_319 = arith.andi %bitcast_convert_type3A_316, %and3A_318 : vector<512xi32>
    %add3A_320 = arith.constant 3584 : i32
    %add3A_321 = vector.broadcast %add3A_320 : i32 to vector<512xi32>
    %add3A_322 = arith.addi %and3A_319, %add3A_321 : vector<512xi32>
    %lt3A_323 = arith.cmpf olt, %reduce_min3A_315, %select_n3A_302 : vector<512xf32>
    %select_n3A_324 = arith.select %lt3A_323, %reduce_min3A_315, %select_n3A_302 : vector<512xi1>, vector<512xf32>
    %select_n3A_325 = arith.select %lt3A_323, %add3A_322, %select_n3A_303 : vector<512xi1>, vector<512xi32>
    %slice3A_326 = vector.extract_strided_slice %get3A_4 {offsets = [0, 3840], sizes = [40, 256], strides = [1, 1]} : vector<40x8192xf32> to vector<40x256xf32>
    %dot_general3A_327 = arith.constant dense<0.000000e+00> : vector<512x256xf32>
    %dot_general3A_328 = tpu.matmul %get3A_1, %slice3A_326, %dot_general3A_327 {dimension_numbers = #tpu.dot_dimension_numbers<[1], [0], [0], [1], [0, 0, 1, 1], [], []>, transpose_lhs_hint = false} : vector<512x40xf32>, vector<40x256xf32>, vector<512x256xf32> -> vector<512x256xf32>
    %bitcast_convert_type3A_329 = tpu.bitcast %dot_general3A_328 : vector<512x256xf32> -> vector<512x256xi32>
    %and3A_330 = arith.constant -256 : i32
    %and3A_331 = vector.broadcast %and3A_330 : i32 to vector<512x256xi32>
    %and3A_332 = arith.andi %bitcast_convert_type3A_329, %and3A_331 : vector<512x256xi32>
    %or3A_333 = vector.broadcast %get3A_7 : vector<1x256xi32> to vector<512x256xi32>
    %or3A_334 = arith.ori %and3A_332, %or3A_333 : vector<512x256xi32>
    %bitcast_convert_type3A_335 = tpu.bitcast %or3A_334 : vector<512x256xi32> -> vector<512x256xf32>
    %reduce_min3A_336 = arith.constant dense<0x7F800000> : vector<512xf32>
    %reduce_min3A_337 = vector.multi_reduction <minimumf>, %bitcast_convert_type3A_335, %reduce_min3A_336 [1] : vector<512x256xf32> to vector<512xf32>
    %bitcast_convert_type3A_338 = tpu.bitcast %reduce_min3A_337 : vector<512xf32> -> vector<512xi32>
    %and3A_339 = arith.constant 255 : i32
    %and3A_340 = vector.broadcast %and3A_339 : i32 to vector<512xi32>
    %and3A_341 = arith.andi %bitcast_convert_type3A_338, %and3A_340 : vector<512xi32>
    %add3A_342 = arith.constant 3840 : i32
    %add3A_343 = vector.broadcast %add3A_342 : i32 to vector<512xi32>
    %add3A_344 = arith.addi %and3A_341, %add3A_343 : vector<512xi32>
    %lt3A_345 = arith.cmpf olt, %reduce_min3A_337, %select_n3A_324 : vector<512xf32>
    %select_n3A_346 = arith.select %lt3A_345, %reduce_min3A_337, %select_n3A_324 : vector<512xi1>, vector<512xf32>
    %select_n3A_347 = arith.select %lt3A_345, %add3A_344, %select_n3A_325 : vector<512xi1>, vector<512xi32>
    %slice3A_348 = vector.extract_strided_slice %get3A_4 {offsets = [0, 4096], sizes = [40, 256], strides = [1, 1]} : vector<40x8192xf32> to vector<40x256xf32>
    %dot_general3A_349 = arith.constant dense<0.000000e+00> : vector<512x256xf32>
    %dot_general3A_350 = tpu.matmul %get3A_1, %slice3A_348, %dot_general3A_349 {dimension_numbers = #tpu.dot_dimension_numbers<[1], [0], [0], [1], [0, 0, 1, 1], [], []>, transpose_lhs_hint = false} : vector<512x40xf32>, vector<40x256xf32>, vector<512x256xf32> -> vector<512x256xf32>
    %bitcast_convert_type3A_351 = tpu.bitcast %dot_general3A_350 : vector<512x256xf32> -> vector<512x256xi32>
    %and3A_352 = arith.constant -256 : i32
    %and3A_353 = vector.broadcast %and3A_352 : i32 to vector<512x256xi32>
    %and3A_354 = arith.andi %bitcast_convert_type3A_351, %and3A_353 : vector<512x256xi32>
    %or3A_355 = vector.broadcast %get3A_7 : vector<1x256xi32> to vector<512x256xi32>
    %or3A_356 = arith.ori %and3A_354, %or3A_355 : vector<512x256xi32>
    %bitcast_convert_type3A_357 = tpu.bitcast %or3A_356 : vector<512x256xi32> -> vector<512x256xf32>
    %reduce_min3A_358 = arith.constant dense<0x7F800000> : vector<512xf32>
    %reduce_min3A_359 = vector.multi_reduction <minimumf>, %bitcast_convert_type3A_357, %reduce_min3A_358 [1] : vector<512x256xf32> to vector<512xf32>
    %bitcast_convert_type3A_360 = tpu.bitcast %reduce_min3A_359 : vector<512xf32> -> vector<512xi32>
    %and3A_361 = arith.constant 255 : i32
    %and3A_362 = vector.broadcast %and3A_361 : i32 to vector<512xi32>
    %and3A_363 = arith.andi %bitcast_convert_type3A_360, %and3A_362 : vector<512xi32>
    %add3A_364 = arith.constant 4096 : i32
    %add3A_365 = vector.broadcast %add3A_364 : i32 to vector<512xi32>
    %add3A_366 = arith.addi %and3A_363, %add3A_365 : vector<512xi32>
    %lt3A_367 = arith.cmpf olt, %reduce_min3A_359, %select_n3A_346 : vector<512xf32>
    %select_n3A_368 = arith.select %lt3A_367, %reduce_min3A_359, %select_n3A_346 : vector<512xi1>, vector<512xf32>
    %select_n3A_369 = arith.select %lt3A_367, %add3A_366, %select_n3A_347 : vector<512xi1>, vector<512xi32>
    %slice3A_370 = vector.extract_strided_slice %get3A_4 {offsets = [0, 4352], sizes = [40, 256], strides = [1, 1]} : vector<40x8192xf32> to vector<40x256xf32>
    %dot_general3A_371 = arith.constant dense<0.000000e+00> : vector<512x256xf32>
    %dot_general3A_372 = tpu.matmul %get3A_1, %slice3A_370, %dot_general3A_371 {dimension_numbers = #tpu.dot_dimension_numbers<[1], [0], [0], [1], [0, 0, 1, 1], [], []>, transpose_lhs_hint = false} : vector<512x40xf32>, vector<40x256xf32>, vector<512x256xf32> -> vector<512x256xf32>
    %bitcast_convert_type3A_373 = tpu.bitcast %dot_general3A_372 : vector<512x256xf32> -> vector<512x256xi32>
    %and3A_374 = arith.constant -256 : i32
    %and3A_375 = vector.broadcast %and3A_374 : i32 to vector<512x256xi32>
    %and3A_376 = arith.andi %bitcast_convert_type3A_373, %and3A_375 : vector<512x256xi32>
    %or3A_377 = vector.broadcast %get3A_7 : vector<1x256xi32> to vector<512x256xi32>
    %or3A_378 = arith.ori %and3A_376, %or3A_377 : vector<512x256xi32>
    %bitcast_convert_type3A_379 = tpu.bitcast %or3A_378 : vector<512x256xi32> -> vector<512x256xf32>
    %reduce_min3A_380 = arith.constant dense<0x7F800000> : vector<512xf32>
    %reduce_min3A_381 = vector.multi_reduction <minimumf>, %bitcast_convert_type3A_379, %reduce_min3A_380 [1] : vector<512x256xf32> to vector<512xf32>
    %bitcast_convert_type3A_382 = tpu.bitcast %reduce_min3A_381 : vector<512xf32> -> vector<512xi32>
    %and3A_383 = arith.constant 255 : i32
    %and3A_384 = vector.broadcast %and3A_383 : i32 to vector<512xi32>
    %and3A_385 = arith.andi %bitcast_convert_type3A_382, %and3A_384 : vector<512xi32>
    %add3A_386 = arith.constant 4352 : i32
    %add3A_387 = vector.broadcast %add3A_386 : i32 to vector<512xi32>
    %add3A_388 = arith.addi %and3A_385, %add3A_387 : vector<512xi32>
    %lt3A_389 = arith.cmpf olt, %reduce_min3A_381, %select_n3A_368 : vector<512xf32>
    %select_n3A_390 = arith.select %lt3A_389, %reduce_min3A_381, %select_n3A_368 : vector<512xi1>, vector<512xf32>
    %select_n3A_391 = arith.select %lt3A_389, %add3A_388, %select_n3A_369 : vector<512xi1>, vector<512xi32>
    %slice3A_392 = vector.extract_strided_slice %get3A_4 {offsets = [0, 4608], sizes = [40, 256], strides = [1, 1]} : vector<40x8192xf32> to vector<40x256xf32>
    %dot_general3A_393 = arith.constant dense<0.000000e+00> : vector<512x256xf32>
    %dot_general3A_394 = tpu.matmul %get3A_1, %slice3A_392, %dot_general3A_393 {dimension_numbers = #tpu.dot_dimension_numbers<[1], [0], [0], [1], [0, 0, 1, 1], [], []>, transpose_lhs_hint = false} : vector<512x40xf32>, vector<40x256xf32>, vector<512x256xf32> -> vector<512x256xf32>
    %bitcast_convert_type3A_395 = tpu.bitcast %dot_general3A_394 : vector<512x256xf32> -> vector<512x256xi32>
    %and3A_396 = arith.constant -256 : i32
    %and3A_397 = vector.broadcast %and3A_396 : i32 to vector<512x256xi32>
    %and3A_398 = arith.andi %bitcast_convert_type3A_395, %and3A_397 : vector<512x256xi32>
    %or3A_399 = vector.broadcast %get3A_7 : vector<1x256xi32> to vector<512x256xi32>
    %or3A_400 = arith.ori %and3A_398, %or3A_399 : vector<512x256xi32>
    %bitcast_convert_type3A_401 = tpu.bitcast %or3A_400 : vector<512x256xi32> -> vector<512x256xf32>
    %reduce_min3A_402 = arith.constant dense<0x7F800000> : vector<512xf32>
    %reduce_min3A_403 = vector.multi_reduction <minimumf>, %bitcast_convert_type3A_401, %reduce_min3A_402 [1] : vector<512x256xf32> to vector<512xf32>
    %bitcast_convert_type3A_404 = tpu.bitcast %reduce_min3A_403 : vector<512xf32> -> vector<512xi32>
    %and3A_405 = arith.constant 255 : i32
    %and3A_406 = vector.broadcast %and3A_405 : i32 to vector<512xi32>
    %and3A_407 = arith.andi %bitcast_convert_type3A_404, %and3A_406 : vector<512xi32>
    %add3A_408 = arith.constant 4608 : i32
    %add3A_409 = vector.broadcast %add3A_408 : i32 to vector<512xi32>
    %add3A_410 = arith.addi %and3A_407, %add3A_409 : vector<512xi32>
    %lt3A_411 = arith.cmpf olt, %reduce_min3A_403, %select_n3A_390 : vector<512xf32>
    %select_n3A_412 = arith.select %lt3A_411, %reduce_min3A_403, %select_n3A_390 : vector<512xi1>, vector<512xf32>
    %select_n3A_413 = arith.select %lt3A_411, %add3A_410, %select_n3A_391 : vector<512xi1>, vector<512xi32>
    %slice3A_414 = vector.extract_strided_slice %get3A_4 {offsets = [0, 4864], sizes = [40, 256], strides = [1, 1]} : vector<40x8192xf32> to vector<40x256xf32>
    %dot_general3A_415 = arith.constant dense<0.000000e+00> : vector<512x256xf32>
    %dot_general3A_416 = tpu.matmul %get3A_1, %slice3A_414, %dot_general3A_415 {dimension_numbers = #tpu.dot_dimension_numbers<[1], [0], [0], [1], [0, 0, 1, 1], [], []>, transpose_lhs_hint = false} : vector<512x40xf32>, vector<40x256xf32>, vector<512x256xf32> -> vector<512x256xf32>
    %bitcast_convert_type3A_417 = tpu.bitcast %dot_general3A_416 : vector<512x256xf32> -> vector<512x256xi32>
    %and3A_418 = arith.constant -256 : i32
    %and3A_419 = vector.broadcast %and3A_418 : i32 to vector<512x256xi32>
    %and3A_420 = arith.andi %bitcast_convert_type3A_417, %and3A_419 : vector<512x256xi32>
    %or3A_421 = vector.broadcast %get3A_7 : vector<1x256xi32> to vector<512x256xi32>
    %or3A_422 = arith.ori %and3A_420, %or3A_421 : vector<512x256xi32>
    %bitcast_convert_type3A_423 = tpu.bitcast %or3A_422 : vector<512x256xi32> -> vector<512x256xf32>
    %reduce_min3A_424 = arith.constant dense<0x7F800000> : vector<512xf32>
    %reduce_min3A_425 = vector.multi_reduction <minimumf>, %bitcast_convert_type3A_423, %reduce_min3A_424 [1] : vector<512x256xf32> to vector<512xf32>
    %bitcast_convert_type3A_426 = tpu.bitcast %reduce_min3A_425 : vector<512xf32> -> vector<512xi32>
    %and3A_427 = arith.constant 255 : i32
    %and3A_428 = vector.broadcast %and3A_427 : i32 to vector<512xi32>
    %and3A_429 = arith.andi %bitcast_convert_type3A_426, %and3A_428 : vector<512xi32>
    %add3A_430 = arith.constant 4864 : i32
    %add3A_431 = vector.broadcast %add3A_430 : i32 to vector<512xi32>
    %add3A_432 = arith.addi %and3A_429, %add3A_431 : vector<512xi32>
    %lt3A_433 = arith.cmpf olt, %reduce_min3A_425, %select_n3A_412 : vector<512xf32>
    %select_n3A_434 = arith.select %lt3A_433, %reduce_min3A_425, %select_n3A_412 : vector<512xi1>, vector<512xf32>
    %select_n3A_435 = arith.select %lt3A_433, %add3A_432, %select_n3A_413 : vector<512xi1>, vector<512xi32>
    %slice3A_436 = vector.extract_strided_slice %get3A_4 {offsets = [0, 5120], sizes = [40, 256], strides = [1, 1]} : vector<40x8192xf32> to vector<40x256xf32>
    %dot_general3A_437 = arith.constant dense<0.000000e+00> : vector<512x256xf32>
    %dot_general3A_438 = tpu.matmul %get3A_1, %slice3A_436, %dot_general3A_437 {dimension_numbers = #tpu.dot_dimension_numbers<[1], [0], [0], [1], [0, 0, 1, 1], [], []>, transpose_lhs_hint = false} : vector<512x40xf32>, vector<40x256xf32>, vector<512x256xf32> -> vector<512x256xf32>
    %bitcast_convert_type3A_439 = tpu.bitcast %dot_general3A_438 : vector<512x256xf32> -> vector<512x256xi32>
    %and3A_440 = arith.constant -256 : i32
    %and3A_441 = vector.broadcast %and3A_440 : i32 to vector<512x256xi32>
    %and3A_442 = arith.andi %bitcast_convert_type3A_439, %and3A_441 : vector<512x256xi32>
    %or3A_443 = vector.broadcast %get3A_7 : vector<1x256xi32> to vector<512x256xi32>
    %or3A_444 = arith.ori %and3A_442, %or3A_443 : vector<512x256xi32>
    %bitcast_convert_type3A_445 = tpu.bitcast %or3A_444 : vector<512x256xi32> -> vector<512x256xf32>
    %reduce_min3A_446 = arith.constant dense<0x7F800000> : vector<512xf32>
    %reduce_min3A_447 = vector.multi_reduction <minimumf>, %bitcast_convert_type3A_445, %reduce_min3A_446 [1] : vector<512x256xf32> to vector<512xf32>
    %bitcast_convert_type3A_448 = tpu.bitcast %reduce_min3A_447 : vector<512xf32> -> vector<512xi32>
    %and3A_449 = arith.constant 255 : i32
    %and3A_450 = vector.broadcast %and3A_449 : i32 to vector<512xi32>
    %and3A_451 = arith.andi %bitcast_convert_type3A_448, %and3A_450 : vector<512xi32>
    %add3A_452 = arith.constant 5120 : i32
    %add3A_453 = vector.broadcast %add3A_452 : i32 to vector<512xi32>
    %add3A_454 = arith.addi %and3A_451, %add3A_453 : vector<512xi32>
    %lt3A_455 = arith.cmpf olt, %reduce_min3A_447, %select_n3A_434 : vector<512xf32>
    %select_n3A_456 = arith.select %lt3A_455, %reduce_min3A_447, %select_n3A_434 : vector<512xi1>, vector<512xf32>
    %select_n3A_457 = arith.select %lt3A_455, %add3A_454, %select_n3A_435 : vector<512xi1>, vector<512xi32>
    %slice3A_458 = vector.extract_strided_slice %get3A_4 {offsets = [0, 5376], sizes = [40, 256], strides = [1, 1]} : vector<40x8192xf32> to vector<40x256xf32>
    %dot_general3A_459 = arith.constant dense<0.000000e+00> : vector<512x256xf32>
    %dot_general3A_460 = tpu.matmul %get3A_1, %slice3A_458, %dot_general3A_459 {dimension_numbers = #tpu.dot_dimension_numbers<[1], [0], [0], [1], [0, 0, 1, 1], [], []>, transpose_lhs_hint = false} : vector<512x40xf32>, vector<40x256xf32>, vector<512x256xf32> -> vector<512x256xf32>
    %bitcast_convert_type3A_461 = tpu.bitcast %dot_general3A_460 : vector<512x256xf32> -> vector<512x256xi32>
    %and3A_462 = arith.constant -256 : i32
    %and3A_463 = vector.broadcast %and3A_462 : i32 to vector<512x256xi32>
    %and3A_464 = arith.andi %bitcast_convert_type3A_461, %and3A_463 : vector<512x256xi32>
    %or3A_465 = vector.broadcast %get3A_7 : vector<1x256xi32> to vector<512x256xi32>
    %or3A_466 = arith.ori %and3A_464, %or3A_465 : vector<512x256xi32>
    %bitcast_convert_type3A_467 = tpu.bitcast %or3A_466 : vector<512x256xi32> -> vector<512x256xf32>
    %reduce_min3A_468 = arith.constant dense<0x7F800000> : vector<512xf32>
    %reduce_min3A_469 = vector.multi_reduction <minimumf>, %bitcast_convert_type3A_467, %reduce_min3A_468 [1] : vector<512x256xf32> to vector<512xf32>
    %bitcast_convert_type3A_470 = tpu.bitcast %reduce_min3A_469 : vector<512xf32> -> vector<512xi32>
    %and3A_471 = arith.constant 255 : i32
    %and3A_472 = vector.broadcast %and3A_471 : i32 to vector<512xi32>
    %and3A_473 = arith.andi %bitcast_convert_type3A_470, %and3A_472 : vector<512xi32>
    %add3A_474 = arith.constant 5376 : i32
    %add3A_475 = vector.broadcast %add3A_474 : i32 to vector<512xi32>
    %add3A_476 = arith.addi %and3A_473, %add3A_475 : vector<512xi32>
    %lt3A_477 = arith.cmpf olt, %reduce_min3A_469, %select_n3A_456 : vector<512xf32>
    %select_n3A_478 = arith.select %lt3A_477, %reduce_min3A_469, %select_n3A_456 : vector<512xi1>, vector<512xf32>
    %select_n3A_479 = arith.select %lt3A_477, %add3A_476, %select_n3A_457 : vector<512xi1>, vector<512xi32>
    %slice3A_480 = vector.extract_strided_slice %get3A_4 {offsets = [0, 5632], sizes = [40, 256], strides = [1, 1]} : vector<40x8192xf32> to vector<40x256xf32>
    %dot_general3A_481 = arith.constant dense<0.000000e+00> : vector<512x256xf32>
    %dot_general3A_482 = tpu.matmul %get3A_1, %slice3A_480, %dot_general3A_481 {dimension_numbers = #tpu.dot_dimension_numbers<[1], [0], [0], [1], [0, 0, 1, 1], [], []>, transpose_lhs_hint = false} : vector<512x40xf32>, vector<40x256xf32>, vector<512x256xf32> -> vector<512x256xf32>
    %bitcast_convert_type3A_483 = tpu.bitcast %dot_general3A_482 : vector<512x256xf32> -> vector<512x256xi32>
    %and3A_484 = arith.constant -256 : i32
    %and3A_485 = vector.broadcast %and3A_484 : i32 to vector<512x256xi32>
    %and3A_486 = arith.andi %bitcast_convert_type3A_483, %and3A_485 : vector<512x256xi32>
    %or3A_487 = vector.broadcast %get3A_7 : vector<1x256xi32> to vector<512x256xi32>
    %or3A_488 = arith.ori %and3A_486, %or3A_487 : vector<512x256xi32>
    %bitcast_convert_type3A_489 = tpu.bitcast %or3A_488 : vector<512x256xi32> -> vector<512x256xf32>
    %reduce_min3A_490 = arith.constant dense<0x7F800000> : vector<512xf32>
    %reduce_min3A_491 = vector.multi_reduction <minimumf>, %bitcast_convert_type3A_489, %reduce_min3A_490 [1] : vector<512x256xf32> to vector<512xf32>
    %bitcast_convert_type3A_492 = tpu.bitcast %reduce_min3A_491 : vector<512xf32> -> vector<512xi32>
    %and3A_493 = arith.constant 255 : i32
    %and3A_494 = vector.broadcast %and3A_493 : i32 to vector<512xi32>
    %and3A_495 = arith.andi %bitcast_convert_type3A_492, %and3A_494 : vector<512xi32>
    %add3A_496 = arith.constant 5632 : i32
    %add3A_497 = vector.broadcast %add3A_496 : i32 to vector<512xi32>
    %add3A_498 = arith.addi %and3A_495, %add3A_497 : vector<512xi32>
    %lt3A_499 = arith.cmpf olt, %reduce_min3A_491, %select_n3A_478 : vector<512xf32>
    %select_n3A_500 = arith.select %lt3A_499, %reduce_min3A_491, %select_n3A_478 : vector<512xi1>, vector<512xf32>
    %select_n3A_501 = arith.select %lt3A_499, %add3A_498, %select_n3A_479 : vector<512xi1>, vector<512xi32>
    %slice3A_502 = vector.extract_strided_slice %get3A_4 {offsets = [0, 5888], sizes = [40, 256], strides = [1, 1]} : vector<40x8192xf32> to vector<40x256xf32>
    %dot_general3A_503 = arith.constant dense<0.000000e+00> : vector<512x256xf32>
    %dot_general3A_504 = tpu.matmul %get3A_1, %slice3A_502, %dot_general3A_503 {dimension_numbers = #tpu.dot_dimension_numbers<[1], [0], [0], [1], [0, 0, 1, 1], [], []>, transpose_lhs_hint = false} : vector<512x40xf32>, vector<40x256xf32>, vector<512x256xf32> -> vector<512x256xf32>
    %bitcast_convert_type3A_505 = tpu.bitcast %dot_general3A_504 : vector<512x256xf32> -> vector<512x256xi32>
    %and3A_506 = arith.constant -256 : i32
    %and3A_507 = vector.broadcast %and3A_506 : i32 to vector<512x256xi32>
    %and3A_508 = arith.andi %bitcast_convert_type3A_505, %and3A_507 : vector<512x256xi32>
    %or3A_509 = vector.broadcast %get3A_7 : vector<1x256xi32> to vector<512x256xi32>
    %or3A_510 = arith.ori %and3A_508, %or3A_509 : vector<512x256xi32>
    %bitcast_convert_type3A_511 = tpu.bitcast %or3A_510 : vector<512x256xi32> -> vector<512x256xf32>
    %reduce_min3A_512 = arith.constant dense<0x7F800000> : vector<512xf32>
    %reduce_min3A_513 = vector.multi_reduction <minimumf>, %bitcast_convert_type3A_511, %reduce_min3A_512 [1] : vector<512x256xf32> to vector<512xf32>
    %bitcast_convert_type3A_514 = tpu.bitcast %reduce_min3A_513 : vector<512xf32> -> vector<512xi32>
    %and3A_515 = arith.constant 255 : i32
    %and3A_516 = vector.broadcast %and3A_515 : i32 to vector<512xi32>
    %and3A_517 = arith.andi %bitcast_convert_type3A_514, %and3A_516 : vector<512xi32>
    %add3A_518 = arith.constant 5888 : i32
    %add3A_519 = vector.broadcast %add3A_518 : i32 to vector<512xi32>
    %add3A_520 = arith.addi %and3A_517, %add3A_519 : vector<512xi32>
    %lt3A_521 = arith.cmpf olt, %reduce_min3A_513, %select_n3A_500 : vector<512xf32>
    %select_n3A_522 = arith.select %lt3A_521, %reduce_min3A_513, %select_n3A_500 : vector<512xi1>, vector<512xf32>
    %select_n3A_523 = arith.select %lt3A_521, %add3A_520, %select_n3A_501 : vector<512xi1>, vector<512xi32>
    %slice3A_524 = vector.extract_strided_slice %get3A_4 {offsets = [0, 6144], sizes = [40, 256], strides = [1, 1]} : vector<40x8192xf32> to vector<40x256xf32>
    %dot_general3A_525 = arith.constant dense<0.000000e+00> : vector<512x256xf32>
    %dot_general3A_526 = tpu.matmul %get3A_1, %slice3A_524, %dot_general3A_525 {dimension_numbers = #tpu.dot_dimension_numbers<[1], [0], [0], [1], [0, 0, 1, 1], [], []>, transpose_lhs_hint = false} : vector<512x40xf32>, vector<40x256xf32>, vector<512x256xf32> -> vector<512x256xf32>
    %bitcast_convert_type3A_527 = tpu.bitcast %dot_general3A_526 : vector<512x256xf32> -> vector<512x256xi32>
    %and3A_528 = arith.constant -256 : i32
    %and3A_529 = vector.broadcast %and3A_528 : i32 to vector<512x256xi32>
    %and3A_530 = arith.andi %bitcast_convert_type3A_527, %and3A_529 : vector<512x256xi32>
    %or3A_531 = vector.broadcast %get3A_7 : vector<1x256xi32> to vector<512x256xi32>
    %or3A_532 = arith.ori %and3A_530, %or3A_531 : vector<512x256xi32>
    %bitcast_convert_type3A_533 = tpu.bitcast %or3A_532 : vector<512x256xi32> -> vector<512x256xf32>
    %reduce_min3A_534 = arith.constant dense<0x7F800000> : vector<512xf32>
    %reduce_min3A_535 = vector.multi_reduction <minimumf>, %bitcast_convert_type3A_533, %reduce_min3A_534 [1] : vector<512x256xf32> to vector<512xf32>
    %bitcast_convert_type3A_536 = tpu.bitcast %reduce_min3A_535 : vector<512xf32> -> vector<512xi32>
    %and3A_537 = arith.constant 255 : i32
    %and3A_538 = vector.broadcast %and3A_537 : i32 to vector<512xi32>
    %and3A_539 = arith.andi %bitcast_convert_type3A_536, %and3A_538 : vector<512xi32>
    %add3A_540 = arith.constant 6144 : i32
    %add3A_541 = vector.broadcast %add3A_540 : i32 to vector<512xi32>
    %add3A_542 = arith.addi %and3A_539, %add3A_541 : vector<512xi32>
    %lt3A_543 = arith.cmpf olt, %reduce_min3A_535, %select_n3A_522 : vector<512xf32>
    %select_n3A_544 = arith.select %lt3A_543, %reduce_min3A_535, %select_n3A_522 : vector<512xi1>, vector<512xf32>
    %select_n3A_545 = arith.select %lt3A_543, %add3A_542, %select_n3A_523 : vector<512xi1>, vector<512xi32>
    %slice3A_546 = vector.extract_strided_slice %get3A_4 {offsets = [0, 6400], sizes = [40, 256], strides = [1, 1]} : vector<40x8192xf32> to vector<40x256xf32>
    %dot_general3A_547 = arith.constant dense<0.000000e+00> : vector<512x256xf32>
    %dot_general3A_548 = tpu.matmul %get3A_1, %slice3A_546, %dot_general3A_547 {dimension_numbers = #tpu.dot_dimension_numbers<[1], [0], [0], [1], [0, 0, 1, 1], [], []>, transpose_lhs_hint = false} : vector<512x40xf32>, vector<40x256xf32>, vector<512x256xf32> -> vector<512x256xf32>
    %bitcast_convert_type3A_549 = tpu.bitcast %dot_general3A_548 : vector<512x256xf32> -> vector<512x256xi32>
    %and3A_550 = arith.constant -256 : i32
    %and3A_551 = vector.broadcast %and3A_550 : i32 to vector<512x256xi32>
    %and3A_552 = arith.andi %bitcast_convert_type3A_549, %and3A_551 : vector<512x256xi32>
    %or3A_553 = vector.broadcast %get3A_7 : vector<1x256xi32> to vector<512x256xi32>
    %or3A_554 = arith.ori %and3A_552, %or3A_553 : vector<512x256xi32>
    %bitcast_convert_type3A_555 = tpu.bitcast %or3A_554 : vector<512x256xi32> -> vector<512x256xf32>
    %reduce_min3A_556 = arith.constant dense<0x7F800000> : vector<512xf32>
    %reduce_min3A_557 = vector.multi_reduction <minimumf>, %bitcast_convert_type3A_555, %reduce_min3A_556 [1] : vector<512x256xf32> to vector<512xf32>
    %bitcast_convert_type3A_558 = tpu.bitcast %reduce_min3A_557 : vector<512xf32> -> vector<512xi32>
    %and3A_559 = arith.constant 255 : i32
    %and3A_560 = vector.broadcast %and3A_559 : i32 to vector<512xi32>
    %and3A_561 = arith.andi %bitcast_convert_type3A_558, %and3A_560 : vector<512xi32>
    %add3A_562 = arith.constant 6400 : i32
    %add3A_563 = vector.broadcast %add3A_562 : i32 to vector<512xi32>
    %add3A_564 = arith.addi %and3A_561, %add3A_563 : vector<512xi32>
    %lt3A_565 = arith.cmpf olt, %reduce_min3A_557, %select_n3A_544 : vector<512xf32>
    %select_n3A_566 = arith.select %lt3A_565, %reduce_min3A_557, %select_n3A_544 : vector<512xi1>, vector<512xf32>
    %select_n3A_567 = arith.select %lt3A_565, %add3A_564, %select_n3A_545 : vector<512xi1>, vector<512xi32>
    %slice3A_568 = vector.extract_strided_slice %get3A_4 {offsets = [0, 6656], sizes = [40, 256], strides = [1, 1]} : vector<40x8192xf32> to vector<40x256xf32>
    %dot_general3A_569 = arith.constant dense<0.000000e+00> : vector<512x256xf32>
    %dot_general3A_570 = tpu.matmul %get3A_1, %slice3A_568, %dot_general3A_569 {dimension_numbers = #tpu.dot_dimension_numbers<[1], [0], [0], [1], [0, 0, 1, 1], [], []>, transpose_lhs_hint = false} : vector<512x40xf32>, vector<40x256xf32>, vector<512x256xf32> -> vector<512x256xf32>
    %bitcast_convert_type3A_571 = tpu.bitcast %dot_general3A_570 : vector<512x256xf32> -> vector<512x256xi32>
    %and3A_572 = arith.constant -256 : i32
    %and3A_573 = vector.broadcast %and3A_572 : i32 to vector<512x256xi32>
    %and3A_574 = arith.andi %bitcast_convert_type3A_571, %and3A_573 : vector<512x256xi32>
    %or3A_575 = vector.broadcast %get3A_7 : vector<1x256xi32> to vector<512x256xi32>
    %or3A_576 = arith.ori %and3A_574, %or3A_575 : vector<512x256xi32>
    %bitcast_convert_type3A_577 = tpu.bitcast %or3A_576 : vector<512x256xi32> -> vector<512x256xf32>
    %reduce_min3A_578 = arith.constant dense<0x7F800000> : vector<512xf32>
    %reduce_min3A_579 = vector.multi_reduction <minimumf>, %bitcast_convert_type3A_577, %reduce_min3A_578 [1] : vector<512x256xf32> to vector<512xf32>
    %bitcast_convert_type3A_580 = tpu.bitcast %reduce_min3A_579 : vector<512xf32> -> vector<512xi32>
    %and3A_581 = arith.constant 255 : i32
    %and3A_582 = vector.broadcast %and3A_581 : i32 to vector<512xi32>
    %and3A_583 = arith.andi %bitcast_convert_type3A_580, %and3A_582 : vector<512xi32>
    %add3A_584 = arith.constant 6656 : i32
    %add3A_585 = vector.broadcast %add3A_584 : i32 to vector<512xi32>
    %add3A_586 = arith.addi %and3A_583, %add3A_585 : vector<512xi32>
    %lt3A_587 = arith.cmpf olt, %reduce_min3A_579, %select_n3A_566 : vector<512xf32>
    %select_n3A_588 = arith.select %lt3A_587, %reduce_min3A_579, %select_n3A_566 : vector<512xi1>, vector<512xf32>
    %select_n3A_589 = arith.select %lt3A_587, %add3A_586, %select_n3A_567 : vector<512xi1>, vector<512xi32>
    %slice3A_590 = vector.extract_strided_slice %get3A_4 {offsets = [0, 6912], sizes = [40, 256], strides = [1, 1]} : vector<40x8192xf32> to vector<40x256xf32>
    %dot_general3A_591 = arith.constant dense<0.000000e+00> : vector<512x256xf32>
    %dot_general3A_592 = tpu.matmul %get3A_1, %slice3A_590, %dot_general3A_591 {dimension_numbers = #tpu.dot_dimension_numbers<[1], [0], [0], [1], [0, 0, 1, 1], [], []>, transpose_lhs_hint = false} : vector<512x40xf32>, vector<40x256xf32>, vector<512x256xf32> -> vector<512x256xf32>
    %bitcast_convert_type3A_593 = tpu.bitcast %dot_general3A_592 : vector<512x256xf32> -> vector<512x256xi32>
    %and3A_594 = arith.constant -256 : i32
    %and3A_595 = vector.broadcast %and3A_594 : i32 to vector<512x256xi32>
    %and3A_596 = arith.andi %bitcast_convert_type3A_593, %and3A_595 : vector<512x256xi32>
    %or3A_597 = vector.broadcast %get3A_7 : vector<1x256xi32> to vector<512x256xi32>
    %or3A_598 = arith.ori %and3A_596, %or3A_597 : vector<512x256xi32>
    %bitcast_convert_type3A_599 = tpu.bitcast %or3A_598 : vector<512x256xi32> -> vector<512x256xf32>
    %reduce_min3A_600 = arith.constant dense<0x7F800000> : vector<512xf32>
    %reduce_min3A_601 = vector.multi_reduction <minimumf>, %bitcast_convert_type3A_599, %reduce_min3A_600 [1] : vector<512x256xf32> to vector<512xf32>
    %bitcast_convert_type3A_602 = tpu.bitcast %reduce_min3A_601 : vector<512xf32> -> vector<512xi32>
    %and3A_603 = arith.constant 255 : i32
    %and3A_604 = vector.broadcast %and3A_603 : i32 to vector<512xi32>
    %and3A_605 = arith.andi %bitcast_convert_type3A_602, %and3A_604 : vector<512xi32>
    %add3A_606 = arith.constant 6912 : i32
    %add3A_607 = vector.broadcast %add3A_606 : i32 to vector<512xi32>
    %add3A_608 = arith.addi %and3A_605, %add3A_607 : vector<512xi32>
    %lt3A_609 = arith.cmpf olt, %reduce_min3A_601, %select_n3A_588 : vector<512xf32>
    %select_n3A_610 = arith.select %lt3A_609, %reduce_min3A_601, %select_n3A_588 : vector<512xi1>, vector<512xf32>
    %select_n3A_611 = arith.select %lt3A_609, %add3A_608, %select_n3A_589 : vector<512xi1>, vector<512xi32>
    %slice3A_612 = vector.extract_strided_slice %get3A_4 {offsets = [0, 7168], sizes = [40, 256], strides = [1, 1]} : vector<40x8192xf32> to vector<40x256xf32>
    %dot_general3A_613 = arith.constant dense<0.000000e+00> : vector<512x256xf32>
    %dot_general3A_614 = tpu.matmul %get3A_1, %slice3A_612, %dot_general3A_613 {dimension_numbers = #tpu.dot_dimension_numbers<[1], [0], [0], [1], [0, 0, 1, 1], [], []>, transpose_lhs_hint = false} : vector<512x40xf32>, vector<40x256xf32>, vector<512x256xf32> -> vector<512x256xf32>
    %bitcast_convert_type3A_615 = tpu.bitcast %dot_general3A_614 : vector<512x256xf32> -> vector<512x256xi32>
    %and3A_616 = arith.constant -256 : i32
    %and3A_617 = vector.broadcast %and3A_616 : i32 to vector<512x256xi32>
    %and3A_618 = arith.andi %bitcast_convert_type3A_615, %and3A_617 : vector<512x256xi32>
    %or3A_619 = vector.broadcast %get3A_7 : vector<1x256xi32> to vector<512x256xi32>
    %or3A_620 = arith.ori %and3A_618, %or3A_619 : vector<512x256xi32>
    %bitcast_convert_type3A_621 = tpu.bitcast %or3A_620 : vector<512x256xi32> -> vector<512x256xf32>
    %reduce_min3A_622 = arith.constant dense<0x7F800000> : vector<512xf32>
    %reduce_min3A_623 = vector.multi_reduction <minimumf>, %bitcast_convert_type3A_621, %reduce_min3A_622 [1] : vector<512x256xf32> to vector<512xf32>
    %bitcast_convert_type3A_624 = tpu.bitcast %reduce_min3A_623 : vector<512xf32> -> vector<512xi32>
    %and3A_625 = arith.constant 255 : i32
    %and3A_626 = vector.broadcast %and3A_625 : i32 to vector<512xi32>
    %and3A_627 = arith.andi %bitcast_convert_type3A_624, %and3A_626 : vector<512xi32>
    %add3A_628 = arith.constant 7168 : i32
    %add3A_629 = vector.broadcast %add3A_628 : i32 to vector<512xi32>
    %add3A_630 = arith.addi %and3A_627, %add3A_629 : vector<512xi32>
    %lt3A_631 = arith.cmpf olt, %reduce_min3A_623, %select_n3A_610 : vector<512xf32>
    %select_n3A_632 = arith.select %lt3A_631, %reduce_min3A_623, %select_n3A_610 : vector<512xi1>, vector<512xf32>
    %select_n3A_633 = arith.select %lt3A_631, %add3A_630, %select_n3A_611 : vector<512xi1>, vector<512xi32>
    %slice3A_634 = vector.extract_strided_slice %get3A_4 {offsets = [0, 7424], sizes = [40, 256], strides = [1, 1]} : vector<40x8192xf32> to vector<40x256xf32>
    %dot_general3A_635 = arith.constant dense<0.000000e+00> : vector<512x256xf32>
    %dot_general3A_636 = tpu.matmul %get3A_1, %slice3A_634, %dot_general3A_635 {dimension_numbers = #tpu.dot_dimension_numbers<[1], [0], [0], [1], [0, 0, 1, 1], [], []>, transpose_lhs_hint = false} : vector<512x40xf32>, vector<40x256xf32>, vector<512x256xf32> -> vector<512x256xf32>
    %bitcast_convert_type3A_637 = tpu.bitcast %dot_general3A_636 : vector<512x256xf32> -> vector<512x256xi32>
    %and3A_638 = arith.constant -256 : i32
    %and3A_639 = vector.broadcast %and3A_638 : i32 to vector<512x256xi32>
    %and3A_640 = arith.andi %bitcast_convert_type3A_637, %and3A_639 : vector<512x256xi32>
    %or3A_641 = vector.broadcast %get3A_7 : vector<1x256xi32> to vector<512x256xi32>
    %or3A_642 = arith.ori %and3A_640, %or3A_641 : vector<512x256xi32>
    %bitcast_convert_type3A_643 = tpu.bitcast %or3A_642 : vector<512x256xi32> -> vector<512x256xf32>
    %reduce_min3A_644 = arith.constant dense<0x7F800000> : vector<512xf32>
    %reduce_min3A_645 = vector.multi_reduction <minimumf>, %bitcast_convert_type3A_643, %reduce_min3A_644 [1] : vector<512x256xf32> to vector<512xf32>
    %bitcast_convert_type3A_646 = tpu.bitcast %reduce_min3A_645 : vector<512xf32> -> vector<512xi32>
    %and3A_647 = arith.constant 255 : i32
    %and3A_648 = vector.broadcast %and3A_647 : i32 to vector<512xi32>
    %and3A_649 = arith.andi %bitcast_convert_type3A_646, %and3A_648 : vector<512xi32>
    %add3A_650 = arith.constant 7424 : i32
    %add3A_651 = vector.broadcast %add3A_650 : i32 to vector<512xi32>
    %add3A_652 = arith.addi %and3A_649, %add3A_651 : vector<512xi32>
    %lt3A_653 = arith.cmpf olt, %reduce_min3A_645, %select_n3A_632 : vector<512xf32>
    %select_n3A_654 = arith.select %lt3A_653, %reduce_min3A_645, %select_n3A_632 : vector<512xi1>, vector<512xf32>
    %select_n3A_655 = arith.select %lt3A_653, %add3A_652, %select_n3A_633 : vector<512xi1>, vector<512xi32>
    %slice3A_656 = vector.extract_strided_slice %get3A_4 {offsets = [0, 7680], sizes = [40, 256], strides = [1, 1]} : vector<40x8192xf32> to vector<40x256xf32>
    %dot_general3A_657 = arith.constant dense<0.000000e+00> : vector<512x256xf32>
    %dot_general3A_658 = tpu.matmul %get3A_1, %slice3A_656, %dot_general3A_657 {dimension_numbers = #tpu.dot_dimension_numbers<[1], [0], [0], [1], [0, 0, 1, 1], [], []>, transpose_lhs_hint = false} : vector<512x40xf32>, vector<40x256xf32>, vector<512x256xf32> -> vector<512x256xf32>
    %bitcast_convert_type3A_659 = tpu.bitcast %dot_general3A_658 : vector<512x256xf32> -> vector<512x256xi32>
    %and3A_660 = arith.constant -256 : i32
    %and3A_661 = vector.broadcast %and3A_660 : i32 to vector<512x256xi32>
    %and3A_662 = arith.andi %bitcast_convert_type3A_659, %and3A_661 : vector<512x256xi32>
    %or3A_663 = vector.broadcast %get3A_7 : vector<1x256xi32> to vector<512x256xi32>
    %or3A_664 = arith.ori %and3A_662, %or3A_663 : vector<512x256xi32>
    %bitcast_convert_type3A_665 = tpu.bitcast %or3A_664 : vector<512x256xi32> -> vector<512x256xf32>
    %reduce_min3A_666 = arith.constant dense<0x7F800000> : vector<512xf32>
    %reduce_min3A_667 = vector.multi_reduction <minimumf>, %bitcast_convert_type3A_665, %reduce_min3A_666 [1] : vector<512x256xf32> to vector<512xf32>
    %bitcast_convert_type3A_668 = tpu.bitcast %reduce_min3A_667 : vector<512xf32> -> vector<512xi32>
    %and3A_669 = arith.constant 255 : i32
    %and3A_670 = vector.broadcast %and3A_669 : i32 to vector<512xi32>
    %and3A_671 = arith.andi %bitcast_convert_type3A_668, %and3A_670 : vector<512xi32>
    %add3A_672 = arith.constant 7680 : i32
    %add3A_673 = vector.broadcast %add3A_672 : i32 to vector<512xi32>
    %add3A_674 = arith.addi %and3A_671, %add3A_673 : vector<512xi32>
    %lt3A_675 = arith.cmpf olt, %reduce_min3A_667, %select_n3A_654 : vector<512xf32>
    %select_n3A_676 = arith.select %lt3A_675, %reduce_min3A_667, %select_n3A_654 : vector<512xi1>, vector<512xf32>
    %select_n3A_677 = arith.select %lt3A_675, %add3A_674, %select_n3A_655 : vector<512xi1>, vector<512xi32>
    %slice3A_678 = vector.extract_strided_slice %get3A_4 {offsets = [0, 7936], sizes = [40, 256], strides = [1, 1]} : vector<40x8192xf32> to vector<40x256xf32>
    %dot_general3A_679 = arith.constant dense<0.000000e+00> : vector<512x256xf32>
    %dot_general3A_680 = tpu.matmul %get3A_1, %slice3A_678, %dot_general3A_679 {dimension_numbers = #tpu.dot_dimension_numbers<[1], [0], [0], [1], [0, 0, 1, 1], [], []>, transpose_lhs_hint = false} : vector<512x40xf32>, vector<40x256xf32>, vector<512x256xf32> -> vector<512x256xf32>
    %bitcast_convert_type3A_681 = tpu.bitcast %dot_general3A_680 : vector<512x256xf32> -> vector<512x256xi32>
    %and3A_682 = arith.constant -256 : i32
    %and3A_683 = vector.broadcast %and3A_682 : i32 to vector<512x256xi32>
    %and3A_684 = arith.andi %bitcast_convert_type3A_681, %and3A_683 : vector<512x256xi32>
    %or3A_685 = vector.broadcast %get3A_7 : vector<1x256xi32> to vector<512x256xi32>
    %or3A_686 = arith.ori %and3A_684, %or3A_685 : vector<512x256xi32>
    %bitcast_convert_type3A_687 = tpu.bitcast %or3A_686 : vector<512x256xi32> -> vector<512x256xf32>
    %reduce_min3A_688 = arith.constant dense<0x7F800000> : vector<512xf32>
    %reduce_min3A_689 = vector.multi_reduction <minimumf>, %bitcast_convert_type3A_687, %reduce_min3A_688 [1] : vector<512x256xf32> to vector<512xf32>
    %bitcast_convert_type3A_690 = tpu.bitcast %reduce_min3A_689 : vector<512xf32> -> vector<512xi32>
    %and3A_691 = arith.constant 255 : i32
    %and3A_692 = vector.broadcast %and3A_691 : i32 to vector<512xi32>
    %and3A_693 = arith.andi %bitcast_convert_type3A_690, %and3A_692 : vector<512xi32>
    %add3A_694 = arith.constant 7936 : i32
    %add3A_695 = vector.broadcast %add3A_694 : i32 to vector<512xi32>
    %add3A_696 = arith.addi %and3A_693, %add3A_695 : vector<512xi32>
    %lt3A_697 = arith.cmpf olt, %reduce_min3A_689, %select_n3A_676 : vector<512xf32>
    %select_n3A_698 = arith.select %lt3A_697, %add3A_696, %select_n3A_677 : vector<512xi1>, vector<512xi32>
    %reshape3A = vector.shape_cast %select_n3A_698 : vector<512xi32> to vector<1x1x512xi32>
    %swap3A = arith.constant 0 : index
    %swap3A_699 = arith.constant 0 : index
    %swap3A_700 = arith.constant 0 : index
    %swap3A_701 = vector.load %arg4[%swap3A, %swap3A_699, %swap3A_700] : memref<1x1x512xi32, #tpu.memory_space<vmem>>, vector<1x1x512xi32>
    tpu.vector_store %arg4[%swap3A, %swap3A_699, %swap3A_700], %reshape3A {strides = array<i32>} : memref<1x1x512xi32, #tpu.memory_space<vmem>>, vector<1x1x512xi32>,
    return
  }
  func.func @transform_0(%arg0: i32) -> (i32, i32) {
    %c0_i32 = arith.constant 0 : i32
    %c0_i32_0 = arith.constant 0 : i32
    return %arg0, %c0_i32 : i32, i32
  }
  func.func @transform_1(%arg0: i32) -> (i32, i32) {
    %c0_i32 = arith.constant 0 : i32
    %c0_i32_0 = arith.constant 0 : i32
    %c0_i32_1 = arith.constant 0 : i32
    return %c0_i32, %c0_i32_0 : i32, i32
  }
  func.func @transform_2(%arg0: i32) -> (i32, i32) {
    %c0_i32 = arith.constant 0 : i32
    %c0_i32_0 = arith.constant 0 : i32
    %c0_i32_1 = arith.constant 0 : i32
    return %c0_i32, %c0_i32_0 : i32, i32
  }
  func.func @transform_3(%arg0: i32) -> (i32, i32, i32) {
    %c0_i32 = arith.constant 0 : i32
    %c0_i32_0 = arith.constant 0 : i32
    %c0_i32_1 = arith.constant 0 : i32
    return %arg0, %c0_i32, %c0_i32_0 : i32, i32, i32
  }
}

</mosaic_0001>

<sc_bundles>
// kernel: kernel.5.cloned.1.call-start
scs
__scs_entry_jumppad:
0x0: {  	(pc) =	sbr.rel $0x88, $3  }
0x1: {  	(tag) =	ssettag $0x0;
	lr =	simm.s32 $0x1  }
0x2: {  	[smem:$0x3F9F] =	sst lr;
	_ =	strace $0xD0000000  }
0x3: {  	_ = 	snop  }
0x4: {  	_ = 	snop  }
0x5: {  	_ = 	snop  }
0x6: {  	_ = 	snop  }
0x7: {  	_ = 	snop  }
__scs_overlays_trampoline_lowered:
0x8: {  	[smem:$0x3FAE] =	sst s0  }
0x9: {  	[smem:$0x3FAF] =	sst s1  }
0xa: {  	[smem:$0x3FB0] =	sst s2  }
0xb: {  	[smem:$0x3FB1] =	sst s3  }
0xc: {  	[smem:$0x3FB2] =	sst s4  }
0xd: {  	[smem:$0x3FB3] =	sst s5  }
0xe: {  	[smem:$0x3FB4] =	sst s6  }
0xf: {  	[smem:$0x3FB5] =	sst s7  }
0x10: {  	[smem:$0x3FB6] =	sst s8  }
0x11: {  	[smem:$0x3FB7] =	sst s9;
	s0 =	simm.s32 @!p0 $0x0  }
0x12: {  	s1 =	sld [smem:$0x3F9D];
	s0 =	simm.s32 @p0 $0x1  }
0x13: {  	[smem:$0x3FB8] =	sst s0;
	s0 =	simm.s32 @!p1 $0x0  }
0x14: {  	s2 =	sld [smem:$0x3F9C];
	s0 =	simm.s32 @p1 $0x1  }
0x15: {  	[smem:$0x3FB9] =	sst s0;
	s0 =	simm.s32 @!p2 $0x0  }
0x16: {  	s3 =	sld [smem:$0x3FDB];
	s0 =	simm.s32 @p2 $0x1  }
0x17: {  	s4 =	simm.s32 $0x1BF5;
	[smem:$0x3FBB] =	sst s0  }
0x18: {  	s0 =	sld [smem:$0x3F9E];
	_ =	swait.ge [sflag:s4], $0x0  }
0x19: {  	s7 =	sld [smem:$0x3F9F]  }
0x1a: {  	s8 =	sadd.s32 $0xFFFFE003, lr  }
0x1b: {  	s9 =	sadd.s32 $0xFFFFFEF7, lr;
	s5 =	simm.s32 $0xFFFFFFFF;
	p2 =	slt.u32 s8, $0xFFFFF086  }
0x1c: {  	p1 =	slt.u32 s9, $0xF7A;
	s5 =	simm.s32 @!p2 $0x0  }
0x1d: {  	s5 =	simm.s32 @p1 $0x1;
	p0 =	seq.s32 s7, s2  }
0x1e: {  	s7 =	smul.u32 @!p0 $0xF7A, s2;
	p2 =	seq.s32 @!p0 s5, $0x0  }
0x1f: {  	s9 =	smul.u32 $0xF7A, s1;
	s8 =	simm.s32 @!p0 $0x1BF5;
	p2 =	por !p2, p0  }
0x20: {  	[sflag:s8] =	ssyncset.s32 @!p0 $0xFFFFF086;
	s6 =	sadd.s32 @!p0 s3, s7;
	s7 =	simm.s32 @!p0 $0x108  }
0x21: {  	s3 =	sadd.s32 s3, s9;
	s6 =	sadd.s32 @!p0 $0x88, s6;
	s7 =	simm.s32 @p2 $0x1082  }
0x22: {  	[simem:s7], [sflag:s8] =	dma.local @!p0 [hbm:s6], $0xF7A  }
0x23: {  	s9 =	sor.u32 $0xD0000000, s2;
	s6 =	simm.s32 $0x108;
	_ =	swait.ge @!p0 [sflag:s8], $0x0  }
0x24: {  	s3 =	sadd.s32 $0x88, s3;
	s6 =	simm.s32 @!p1 $0x1082;
	[sflag:s4] =	ssyncset.s32 $0xFFFFF086  }
0x25: {  	[simem:s6], [sflag:s4] =	dma.local [hbm:s3], $0xF7A  }
0x26: {  	[smem:$0x3F9F] =	sst s1;
	(tag) =	ssettag s2;
	_ =	strace s9  }
0x27: {  	s1 =	sld [smem:$0x3FAF]  }
0x28: {  	s2 =	sld [smem:$0x3FB0]  }
0x29: {  	s4 =	sld [smem:$0x3FB2]  }
0x2a: {  	p0 =	seq.s32 s5, $0x0;
	s5 =	sld [smem:$0x3FB3]  }
0x2b: {  	s6 =	sld [smem:$0x3FB4]  }
0x2c: {  	s7 =	sld [smem:$0x3FB5]  }
0x2d: {  	s3 =	simm.s32 $0x108;
	s8 =	sld [smem:$0x3FB6]  }
0x2e: {  	s3 =	simm.s32 @!p0 $0x1082;
	s9 =	sld [smem:$0x3FB7]  }
0x2f: {  	lr =	sadd.s32 s0, s3;
	s0 =	sld [smem:$0x3FAE]  }
0x30: {  	s3 =	sld [smem:$0x3FB1]  }
0x31: {  	[smem:$0x3FBA] =	sst s10  }
0x32: {  	s10 =	sld [smem:$0x3FB8];
	_ =	sdelay $0x3  }
0x33: {  	p0 =	seq.s32 s10, $0x1;
	s10 =	sld [smem:$0x3FBA];
	_ =	sdelay $0x3  }
0x34: {  	[smem:$0x3FBA] =	sst s10  }
0x35: {  	s10 =	sld [smem:$0x3FB9];
	_ =	sdelay $0x3  }
0x36: {  	p1 =	seq.s32 s10, $0x1;
	s10 =	sld [smem:$0x3FBA];
	_ =	sdelay $0x3  }
0x37: {  	[smem:$0x3FBA] =	sst s10  }
0x38: {  	s10 =	sld [smem:$0x3FBB]  }
0x39: {  	_ = 	snop;
	(pc) =	sbr.ind lr, $3  }
0x3a: {  	_ = 	snop  }
0x3b: {  	_ = 	snop  }
0x3c: {  	p2 =	seq.s32 s10, $0x1;
	s10 =	sld [smem:$0x3FBA]  }
0x3d: {  	_ =	shalt  }
0x3e: {  	_ =	shalt  }
0x3f: {  	_ =	shalt  }
0x40: {  	_ =	shalt  }
0x41: {  	_ =	shalt  }
0x42: {  	_ =	shalt  }
0x43: {  	_ =	shalt  }
0x44: {  	_ =	shalt  }
0x45: {  	_ =	shalt  }
0x46: {  	_ =	shalt  }
0x47: {  	_ =	shalt  }
0x48: {  	_ =	shalt  }
0x49: {  	_ =	shalt  }
0x4a: {  	_ =	shalt  }
0x4b: {  	_ =	shalt  }
0x4c: {  	_ =	shalt  }
0x4d: {  	_ =	shalt  }
0x4e: {  	_ =	shalt  }
0x4f: {  	_ =	shalt  }
0x50: {  	_ =	shalt  }
0x51: {  	_ =	shalt  }
0x52: {  	_ =	shalt  }
0x53: {  	_ =	shalt  }
0x54: {  	_ =	shalt  }
0x55: {  	_ =	shalt  }
0x56: {  	_ =	shalt  }
0x57: {  	_ =	shalt  }
0x58: {  	_ =	shalt  }
0x59: {  	_ =	shalt  }
0x5a: {  	_ =	shalt  }
0x5b: {  	_ =	shalt  }
0x5c: {  	_ =	shalt  }
0x5d: {  	_ =	shalt  }
0x5e: {  	_ =	shalt  }
0x5f: {  	_ =	shalt  }
0x60: {  	_ =	shalt  }
0x61: {  	_ =	shalt  }
0x62: {  	_ =	shalt  }
0x63: {  	_ =	shalt  }
0x64: {  	_ =	shalt  }
0x65: {  	_ =	shalt  }
0x66: {  	_ =	shalt  }
0x67: {  	_ =	shalt  }
0x68: {  	_ =	shalt  }
0x69: {  	_ =	shalt  }
0x6a: {  	_ =	shalt  }
0x6b: {  	_ =	shalt  }
0x6c: {  	_ =	shalt  }
0x6d: {  	_ =	shalt  }
0x6e: {  	_ =	shalt  }
0x6f: {  	_ =	shalt  }
0x70: {  	_ =	shalt  }
0x71: {  	_ =	shalt  }
0x72: {  	_ =	shalt  }
0x73: {  	_ =	shalt  }
0x74: {  	_ =	shalt  }
0x75: {  	_ =	shalt  }
0x76: {  	_ =	shalt  }
0x77: {  	_ =	shalt  }
0x78: {  	_ =	shalt  }
0x79: {  	_ =	shalt  }
0x7a: {  	_ =	shalt  }
0x7b: {  	_ =	shalt  }
0x7c: {  	_ =	shalt  }
0x7d: {  	_ =	shalt  }
0x7e: {  	_ =	shalt  }
0x7f: {  	_ =	shalt  }
0x80: {  	_ =	shalt  }
0x81: {  	_ =	shalt  }
0x82: {  	_ =	shalt  }
0x83: {  	_ =	shalt  }
0x84: {  	_ =	shalt  }
0x85: {  	_ =	shalt  }
0x86: {  	_ =	shalt  }
0x87: {  	_ =	shalt  }
.Lfunc_end0:
.L_simem_size_0:
called_computation_lowered:
.L_overlay_start_0:
0x88: {  	s2 =	sld [smem:$0x3FD9]  }
0x89: {  	s3 =	sld [smem:$0x3FFE];
	_ =	sdelay $0x1  }
0x8a: {  	s1 =	srdreg.scid  }
0x8b: {  	s0 =	sand.u32 $0x1, s1  }
0x8c: {  	s14 =	sshll.u32 s0, $0xA;
	s2 =	sadd.s32 s3, s2  }
0x8d: {  	s2 =	sadd.s32 s2, s14  }
0x8e: {  	[smem:$0x3FC6] =	sst s2  }
0x8f: {  	_ = 	snop  }
0x90: {  	s2 =	sld [smem:$0x3FD0];
	_ =	sdelay $0x2  }
0x91: {  	s15 =	simm.s32 $0xA;
	s4 =	simm.s32 $0x10  }
0x92: {  	[smem:s4], [sflag:s15] =	dma.local [hbm:s2], $0x1  }
0x93: {  	_ =	swait.eq [sflag:s15], $0x1  }
0x94: {  	[sflag:s15] =	ssyncset.done $0x0  }
0x95: {  	s16 =	sld [smem:$0x10];
	[sflag:s15] =	ssyncadd.s32 $0xFFFFFFFF  }
0x96: {  	s17 =	sld [smem:$0x11];
	(tm) =	ssettm $0x1  }
0x97: {  	s18 =	sld [smem:$0x3FFB];
	_ =	sdelay $0x3  }
0x98: {  	_ =	strace s18  }
0x99: {  	s4 =	sld [smem:$0x3FFC];
	_ =	sdelay $0x3  }
0x9a: {  	_ =	strace s4  }
0x9b: {  	s4 =	sld [smem:$0x3FFD];
	_ =	sdelay $0x3  }
0x9c: {  	_ =	strace s4  }
0x9d: {  	_ =	strace $0x8FFFFFFF  }
0x9e: {  	s19 =	sld [smem:$0x3FDB];
	_ =	sdelay $0x1  }
0x9f: {  	s5 =	simm.s32 $_scs_section_size  }
0xa0: {  	s6 =	simm.s32 $_size__tile_overlayer_lowered;
	s7 =	simm.s32 $_tile_overlayer_lowered  }
0xa1: {  	s22 =	simm.s32 $0x1BFF;
	s21 =	sshll.u32 s7, $0x1;
	s4 =	sadd.s32 s5, s19  }
0xa2: {  	s8 =	simm.s32 $0x0;
	s20 =	sshll.u32 s6, $0x1;
	s6 =	sadd.s32 s21, s4  }
0xa3: {  	[timem:s8], [sflag:s22] =	dma.local [hbm:s6], s20  }
0xa4: {  	_ =	swait.ge [sflag:s22], s20  }
0xa5: {  	s5 =	ssub.s32 $0x0, s20;
	[sflag:s22] =	ssyncset.done $0x0  }
0xa6: {  	[sflag:s22] =	ssyncadd.s32 s5;
	_ =	sdelay $0x1  }
0xa7: {  	s23 =	simm.s32 $0x1B8B  }
0xa8: {  	_ =	swait.ge [sflag:s23], $0x1  }
0xa9: {  	[sflag:s23] =	ssyncset.done $0x0  }
0xaa: {  	s25 =	simm.s32 $0x1B8E;
	s24 =	sld [smem:$0x3FFE];
	[sflag:s23] =	ssyncadd.s32 $0xFFFFFFFF  }
0xab: {  	s26 =	simm.s32 $execute0_lowered;
	[smem:$0x3FD2] =	sst s25  }
0xac: {  	s6 =	sshll.u32 s26, $0x1;
	_ =	strace $0x80000046;
	[dreg:$0x1] =	wrdreg $0xFFFFFFFF  }
0xad: {  	s28 =	simm.s32 $_size_execute0_lowered;
	s4 =	sadd.s32 s4, s6;
	[dreg:$0x0] =	wrdreg $0x0  }
0xae: {  	s6 =	sshll.u32 s28, $0x1;
	[dreg:$0x2] =	wrdreg s4  }
0xaf: {  	[dreg:$0x3] =	wrdreg s6  }
0xb0: {  	[dreg:$0x4] =	wrdreg $0xC0  }
0xb1: {  	_ =	task [dreg:s8], $0x5FFFF  }
0xb2: {  	[dreg:$0x1] =	wrdreg $0xFFFFFFFF  }
0xb3: {  	[dreg:$0x0] =	wrdreg $0x60  }
0xb4: {  	[dreg:$0x2] =	wrdreg s24  }
0xb5: {  	[dreg:$0x3] =	wrdreg s17  }
0xb6: {  	[dreg:$0x4] =	wrdreg s16  }
0xb7: {  	[dreg:$0x5] =	wrdreg $0x9  }
0xb8: {  	_ =	task.clear_ibuf [dreg:s8], $0x6FFFF;
	_ =	strace $0x90000046  }
0xb9: {  	s29 =	simm.s32 $0x9;
	_ =	strace $0x80000048  }
0xba: {  	_ =	swait.ge [sflag:s29], $0x1  }
0xbb: {  	[sflag:s29] =	ssyncadd.s32 $0xFFFFFFFF  }
0xbc: {  	_ =	strace $0x90000048  }
0xbd: {  	_ =	sfence  }
0xbe: {  	s30 =	sld [smem:$0x0];
	_ =	sdelay $0x2  }
0xbf: {  	s31 =	sshll.u32 s1, $0xD;
	s1 =	sshrl.u32 s1, $0x2  }
0xc0: {  	s3 =	sand.u32 $0x4000, s31;
	s1 =	sadd.s32 s1, s30  }
0xc1: {  	s0 =	sor.u32 s3, s0;
	s1 =	sshll.u32 s1, $0x11  }
0xc2: {  	s0 =	sor.u32 s1, s0  }
0xc3: {  	s0 =	sadd.s32 $0x8F2B, s0  }
0xc4: {  	[sflag:s0] =	ssyncadd.remote.s32 $0x1  }
0xc5: {  	_ =	sfence.sel $0xFFFF  }
0xc6: {  	[dreg:$0x0] =	wrdreg $0xFFFFFFFF;
	(pc) =	sbr.abs _section_cstart, $3  }
0xc7: {  	[dreg:$0x1] =	wrdreg $0xFFFFFFFF  }
0xc8: {  	_ =	task.clear_ibuf [dreg:s8], $0x2FFFF;
	_ =	strace $0x9FFFFFFF  }
0xc9: {  	(tm) =	ssettm $0x7FFFFFFF  }
tec
execute0_lowered:
.L_overlay_start_1:
0x0: {  	(tag) =	ssettag $0x1  }
0x1: {  	s6 =	rddreg [dreg:$0x0]  }
0x2: {  	s7 =	rddreg [dreg:$0x1]  }
0x3: {  	s2 =	rddreg [dreg:$0x2]  }
0x4: {  	s0 =	rddreg [dreg:$0x3]  }
0x5: {  	s3 =	simm.s32 $0x0;
	s4 =	srdreg.scid;
	s1 =	stileid.u32  }
0x6: {  	s13 =	simm.s32 $0x1;
	s14 =	simm.s32 $0x1800;
	s15 =	simm.s32 $0x2800  }
0x7: {  	s16 =	simm.s32 $0x0;
	[smem:$0x7FF] =	sst s3;
	s8 =	sand.u32 $0x1, s4  }
0x8: {  	s5 =	sshll.u32 s1, $0x1;
	s4 =	sadd.s32 $0x800, s6;
	_ =	strace $0x80000047  }
0x9: {  	s9 =	sor.u32 s8, s5;
	s5 =	sadd.s32 $0x8A00, s6;
	s8 =	ssub.s32 $0x2, s8  }
0xa: {  	s10 =	sshll.u32 s9, $0x1;
	s31 =	sshrl.u32 s8, $0x1;
	s11 =	sshll.u32 s9, $0x8  }
0xb: {  	s10 =	sadd.s32 s10, s6;
	s12 =	ssub.s32 s8, s31;
	s6 =	sadd.s32 s7, s11  }
0xc: {  	s7 =	sshll.u32 s9, $0xD;
	s11 =	simm.s32 $0x80;
	s8 =	sadd.s32 $0x8800, s10  }
0xd: {  	s9 =	smax.u32 s12, $0x1;
	s10 =	simm.s32 $0x2;
	s12 =	simm.s32 $0x800  }
.LBB2_1:
0xe: {  	[tilespmem:s3], [sflag:$0x2] =	stream.linear.gather [hbm4b:s6+s3], $0x800, $0x38;
	[tilespmem:$0x2810] =	vst v63  }
0xf: {  	_ =	swait.ge [sflag:s10], $0x800  }
0x10: {  	[sflag:s10] =	ssyncset.done $0x0  }
0x11: {  	v0 =	vimm.f32 $0.0e+00;
	s17 =	simm.s32 $0x0;
	[sflag:s10] =	ssyncadd.s32 $0xFFFFF800  }
.LBB2_2:
0x12: {  	s18 =	sshll.u32 s17, $0x9  }
0x13: {  	s19 =	sshrl.u32 s18, $0x2  }
0x14: {  	[tilespmem:s12], [sflag:$0x1] =	stream.indirect.gather [hbm4b:s4+s11], $0x20, s19, s11, $0xb8;
	[tilespmem:$0x2810] =	vst v63  }
0x15: {  	_ =	swait.ge [sflag:s13], $0x1000  }
0x16: {  	s18 =	sadd.s32 s7, s18;
	[sflag:s13] =	ssyncset.done $0x0  }
0x17: {  	s20 =	simm.s32 $0x0;
	s31 =	sadd.s32 s2, s18;
	[sflag:s13] =	ssyncadd.s32 $0xFFFFF000  }
0x18: {  	[tilespmem:s14], [sflag:$0x2] =	stream.linear.gather [hbm4b:s31+s20], $0x1000, $0x38;
	[tilespmem:$0x2810] =	vst v63  }
0x19: {  	_ =	swait.ge [sflag:s10], $0x1000  }
0x1a: {  	[sflag:s10] =	ssyncset.done $0x0  }
0x1b: {  	s19 =	simm.s32 $0x0;
	[sflag:s10] =	ssyncadd.s32 $0xFFFFF000  }
0x1c: {  	v1 =	vld [tilespmem:s19+$0x810]  }
0x1d: {  	v2 =	vld [tilespmem:s19+$0x800]  }
0x1e: {  	v3 =	vld [tilespmem:s19+$0x1800]  }
0x1f: {  	v5 =	vld [tilespmem:s19+$0x1810];
	_ =	sdelay $0x3  }
0x20: {  	v2 =	vsub.f32 v2, v3  }
0x21: {  	v6 =	vsub.f32 v1, v5  }
0x22: {  	s20 =	simm.s32 $0x20;
	v4 =	vadd.f32 v2, v3;
	v3 =	vmul.f32 v2, v2  }
0x23: {  	s21 =	simm.s32 $0x100;
	v1 =	vld [tilespmem:s20+$0x810];
	v5 =	vadd.f32 v6, v5;
	v2 =	vmul.f32 v6, v6  }
.LBB2_3:
0x24: {  	p0 =	sne.s32 s21, $0x3F80;
	v6 =	vld [tilespmem:s20+$0x800];
	[tilespmem:s19+$0x1800] =	vst v4;
	v0 =	vadd.f32 v3, v0  }
0x25: {  	v3 =	vld [tilespmem:s20+$0x1800];
	[tilespmem:s19+$0x1810] =	vst v5;
	s19 =	smov.u32 s20  }
0x26: {  	v5 =	vld [tilespmem:s19+$0x1810];
	v0 =	vadd.f32 v2, v0;
	_ =	sdelay $0x2  }
.Ltmp0:
0x27: {  	(pc) =	sbr.rel @p0 .LBB2_3-.Ltmp0, $4  }
0x28: {  	v2 =	vsub.f32 v6, v3  }
0x29: {  	v6 =	vsub.f32 v1, v5  }
0x2a: {  	s20 =	sshra.s32 s21, $0x2;
	v4 =	vadd.f32 v2, v3;
	v3 =	vmul.f32 v2, v2  }
0x2b: {  	s21 =	sadd.s32 $0x80, s21;
	v1 =	vld [tilespmem:s20+$0x810];
	v5 =	vadd.f32 v6, v5;
	v2 =	vmul.f32 v6, v6  }
0x2c: {  	v6 =	vld [tilespmem:s20+$0x800];
	[tilespmem:s19+$0x1800] =	vst v4  }
0x2d: {  	v4 =	vld [tilespmem:s20+$0x1800];
	[tilespmem:s19+$0x1810] =	vst v5  }
0x2e: {  	v5 =	vld [tilespmem:s20+$0x1810];
	_ =	sdelay $0x3  }
0x2f: {  	v6 =	vsub.f32 v6, v4  }
0x30: {  	v1 =	vsub.f32 v1, v5  }
0x31: {  	v0 =	vadd.f32 v3, v0;
	v4 =	vadd.f32 v6, v4  }
0x32: {  	s17 =	sadd.s32 $0x1, s17;
	v3 =	vadd.f32 v1, v5  }
0x33: {  	p0 =	sne.s32 s17, $0x10;
	v0 =	vadd.f32 v2, v0;
	v2 =	vmul.f32 v6, v6;
	[tilespmem:s20+$0x1800] =	vst v4  }
.Ltmp1:
0x34: {  	s18 =	sadd.s32 s5, s18;
	[tilespmem:s20+$0x1810] =	vst v3;
	(pc) =	sbr.rel @p0 .LBB2_2-.Ltmp1, $4  }
0x35: {  	v1 =	vmul.f32 v1, v1;
	v0 =	vadd.f32 v2, v0;
	[hbm4b:s18+s3] =	stream.linear.scatter [tilespmem:s14], [sflag:$0x2], $0x1000, $0x38;
	[tilespmem:$0x2810] =	vst v63  }
0x36: {  	_ =	swait.ge [sflag:s10], $0x1000  }
0x37: {  	v0 =	vadd.f32 v1, v0;
	[sflag:s10] =	ssyncset.done $0x0  }
0x38: {  	[sflag:s10] =	ssyncadd.s32 $0xFFFFF000  }
0x39: {  	s16 =	sadd.s32 $0x1, s16  }
0x3a: {  	p0 =	sne.s32 s16, s9  }
.Ltmp2:
0x3b: {  	[tilespmem:$0x2800] =	vst v0;
	(pc) =	sbr.rel @p0 .LBB2_1-.Ltmp2, $4  }
0x3c: {  	[hbm4b:s8+s3] =	stream.linear.scatter [tilespmem:s15], [sflag:$0x2], $0x10, $0x38;
	[tilespmem:$0x2810] =	vst v63  }
0x3d: {  	_ =	swait.ge [sflag:s10], $0x10  }
0x3e: {  	[sflag:s10] =	ssyncset.done $0x0  }
0x3f: {  	[sflag:s10] =	ssyncadd.s32 $0xFFFFFFF0  }
0x40: {  	_ =	sfence.sel $0x180000  }
0x41: {  	[bflag:$0x0] =	sbarrier.arrive $0xFFFF  }
0x42: {  	p0 =	sne.s32 s1, $0x0;
	_ =	strace $0x90000047  }
0x43: {  	s0 =	sadd.s32 @!p0 $0x100000, s0;
	[bflag:$0x2] =	sbarrier.arrive $0xFFFF  }
0x44: {  	[sflag:s0] =	ssyncadd.tile.s32 @!p0 $0x1;
	_ =	shalt  }
.Lfunc_end2:
_tile_overlayer_lowered:
.L_overlay_start_2:
0x45: {  	(tag) =	ssettag $0x2  }
0x46: {  	s0 =	rddreg [dreg:$0x0];
	s2 =	stileid.u32  }
0x47: {  	s1 =	rddreg [dreg:$0x1];
	p0 =	sne.s32 s2, $0x0  }
0x48: {  	s3 =	rddreg [dreg:$0x2];
	[bflag:$0x3] =	sbarrier.arrive $0xFFFF;
	s2 =	simm.s32 @!p0 $0x1C02  }
0x49: {  	[timem:s3], [sflag:s2] =	dma.local @!p0 [hbm:s0], s1  }
0x4a: {  	s0 =	simm.s32 @!p0 $0x2  }
0x4b: {  	_ =	swait.ge @!p0 [sflag:s0], s1  }
0x4c: {  	s1 =	ssub.s32 @!p0 $0x0, s1;
	[sflag:s0] =	ssyncset.done @!p0 $0x0  }
0x4d: {  	[sflag:s0] =	ssyncadd.s32 @!p0 s1  }
0x4e: {  	[bflag:$0x3] =	sbarrier.arrive $0xFFFF  }
0x4f: {  	_ =	shalt  }

</sc_bundles>
